<compile_context>
chip_gen: v7x
topology: tpu7x:2x2x1
jax: 0.10.2.dev20260603
libtpu: 0.0.44.dev20260713+nightly
codegen_flags: <defaults>
</compile_context>

<pallas_src>
import functools

import jax
import jax.numpy as jnp
from jax import lax
from jax.experimental import pallas as pl
from jax.experimental.pallas import tpu as pltpu
from jax.experimental.pallas import tpu_sc as plsc

B, C, N, K = 4, 128, 2048, 16
NKP = 1024
DUMP = B * NKP

_PREC = "default"


_NB_A = 256


_L = 8


def _knn_body(xt_ref, x_ref, w_ref, xxr_ref, xxc_ref, out_ref):
    b = pl.program_id(0)
    xtb = xt_ref[0]
    xb = x_ref[0]
    inner = -2.0 * jnp.dot(xtb, xb, precision=_PREC,
                           preferred_element_type=jnp.float32)
    xx_row = xxr_ref[0]
    xx_col = xxc_ref[0]
    dwork = -xx_col - inner - xx_row
    s_row = jnp.dot(w_ref[:, :C], xb, precision=_PREC,
                    preferred_element_type=jnp.float32)

    iota = lax.broadcasted_iota(jnp.int32, (_NB_A, N), 1)
    neg_inf = jnp.float32(-jnp.inf)
    bigi = jnp.int32(1 << 30)

    def _top2_by_s(mask):
        sm = jnp.where(mask, s_row, neg_inf)
        cols = []
        for _ in range(_L):
            smax = jnp.max(sm, axis=1, keepdims=True)
            cand = jnp.where(sm == smax, iota, bigi)
            mstar = jnp.min(cand, axis=1, keepdims=True)
            cols.append(mstar)
            sm = jnp.where(iota == mstar, neg_inf, sm)
        return jnp.concatenate(cols, axis=1) + b * N

    dfast = dwork
    for _ in range(K):
        rowmax = jnp.max(dfast, axis=1, keepdims=True)
        dfast = jnp.where(dfast == rowmax, neg_inf, dfast)
    cnt = jnp.sum((dfast == neg_inf).astype(jnp.int32), axis=1)
    exact = jnp.max(cnt) == K

    @pl.when(exact)
    def _():
        out_ref[0] = _top2_by_s(dfast == neg_inf)

    @pl.when(jnp.logical_not(exact))
    def _():
        dslow = dwork
        for t in range(K):
            rowmax = jnp.max(dslow, axis=1, keepdims=True)
            cand = jnp.where(dslow == rowmax, iota, bigi)
            mstar = jnp.min(cand, axis=1, keepdims=True)
            dslow = jnp.where(iota == mstar, neg_inf, dslow)
        out_ref[0] = _top2_by_s(dslow == neg_inf)


_knn_call = pl.pallas_call(
    _knn_body,
    grid=(B, N // _NB_A),
    in_specs=[
        pl.BlockSpec((1, _NB_A, C), lambda b, i: (b, i, 0)),
        pl.BlockSpec((1, C, N), lambda b, i: (b, 0, 0)),
        pl.BlockSpec((1, 2 * C), lambda b, i: (0, 0)),
        pl.BlockSpec((1, 1, N), lambda b, i: (b, 0, 0)),
        pl.BlockSpec((1, _NB_A, 1), lambda b, i: (b, i, 0)),
    ],
    out_specs=pl.BlockSpec((1, _NB_A, _L), lambda b, i: (b, i, 0)),
    out_shape=jax.ShapeDtypeStruct((B, N, _L), jnp.int32),
)


_NB_C = 512


def _score_body(nbr_ref, xt_ref, w_ref, b_ref, out_ref):
    xtb = xt_ref[0]
    bias = b_ref[0, 0]
    sc = None
    for j in range(_L):
        gf = jnp.concatenate([nbr_ref[j, 0] - xtb, xtb], axis=1)
        scj = jnp.dot(gf, w_ref[...], precision=_PREC,
                      preferred_element_type=jnp.float32) + bias
        sc = scj if sc is None else jnp.maximum(sc, scj)
    out_ref[0] = sc


_score_call = pl.pallas_call(
    _score_body,
    grid=(B, N // _NB_C),
    in_specs=[
        pl.BlockSpec((_L, 1, _NB_C, C), lambda b, i: (0, b, i, 0)),
        pl.BlockSpec((1, _NB_C, C), lambda b, i: (b, i, 0)),
        pl.BlockSpec((2 * C, 1), lambda b, i: (0, 0)),
        pl.BlockSpec((1, 1), lambda b, i: (0, 0)),
    ],
    out_specs=pl.BlockSpec((1, _NB_C, 1), lambda b, i: (b, i, 0)),
    out_shape=jax.ShapeDtypeStruct((B, N, 1), jnp.float32),
)


_NB_D = 512


def _rank_body(sc_ref, sr_ref, xt_ref, dest_ref, scaled_ref):
    b = pl.program_id(0)
    i = pl.program_id(1)
    s_col = jnp.maximum(sc_ref[0], 0.0)
    s_row = jnp.maximum(sr_ref[0], 0.0)
    gt = (s_row > s_col).astype(jnp.int32)
    ncol = i * _NB_D + lax.broadcasted_iota(jnp.int32, (_NB_D, 1), 0)
    mrow = lax.broadcasted_iota(jnp.int32, (_NB_D, N), 1)
    eqlt = ((s_row == s_col) & (mrow < ncol)).astype(jnp.int32)
    rank = jnp.sum(gt + eqlt, axis=1, keepdims=True)
    flat_n = b * N + ncol
    dest_ref[0] = jnp.where(rank < NKP, b * NKP + rank, DUMP + flat_n)
    scaled_ref[0] = xt_ref[0] * jnp.tanh(s_col)


_rank_call = pl.pallas_call(
    _rank_body,
    grid=(B, N // _NB_D),
    in_specs=[
        pl.BlockSpec((1, _NB_D, 1), lambda b, i: (b, i, 0)),
        pl.BlockSpec((1, 1, N), lambda b, i: (b, 0, 0)),
        pl.BlockSpec((1, _NB_D, C), lambda b, i: (b, i, 0)),
    ],
    out_specs=[
        pl.BlockSpec((1, _NB_D, 1), lambda b, i: (b, i, 0)),
        pl.BlockSpec((1, _NB_D, C), lambda b, i: (b, i, 0)),
    ],
    out_shape=[
        jax.ShapeDtypeStruct((B, N, 1), jnp.int32),
        jax.ShapeDtypeStruct((B, N, C), jnp.float32),
    ],
)


_info = plsc.get_sparse_core_info()
_NW = _info.num_cores * _info.num_subcores
_mesh = plsc.VectorSubcoreMesh(core_axis_name="c", subcore_axis_name="s")

_G_ROWS = _L * B * N
_G_PER_W = _G_ROWS // _NW
_TR = 128
_NT = _G_PER_W // _TR


@functools.partial(
    pl.kernel,
    mesh=_mesh,
    out_type=jax.ShapeDtypeStruct((_G_ROWS, C), jnp.float32),
    scratch_types=[
        pltpu.VMEM((_G_PER_W // 128, 128), jnp.int32),
        pltpu.VMEM((_TR, C), jnp.float32),
        pltpu.VMEM((_TR, C), jnp.float32),
        pltpu.SemaphoreType.DMA,
        pltpu.SemaphoreType.DMA,
        pltpu.SemaphoreType.DMA,
        pltpu.SemaphoreType.DMA,
    ],
)
def _sc_gather(table_hbm, idx_hbm, out_hbm, idx_all, b0, b1, gs0, gs1, os0, os1):
    wid = lax.axis_index("s") * _info.num_cores + lax.axis_index("c")
    wbase = wid * _G_PER_W
    pltpu.sync_copy(idx_hbm.at[pl.ds(wid * (_G_PER_W // 128), _G_PER_W // 128)],
                    idx_all)

    def gstart(t, buf, sem):
        pltpu.async_copy(table_hbm.at[idx_all.at[t]], buf, sem)

    def gwait(buf, sem):
        pltpu.make_async_copy(out_hbm.at[pl.ds(0, _TR)], buf, sem).wait()

    def sstart(t, buf, sem):
        pltpu.async_copy(buf, out_hbm.at[pl.ds(wbase + t * _TR, _TR)], sem)

    def swait(buf, sem):
        pltpu.make_async_copy(buf, out_hbm.at[pl.ds(0, _TR)], sem).wait()

    gstart(0, b0, gs0)

    def outer(o, carry):
        i = 2 * o
        gwait(b0, gs0)

        @pl.when(o > 0)
        def _():
            swait(b1, os1)

        gstart(i + 1, b1, gs1)
        sstart(i, b0, os0)
        gwait(b1, gs1)

        @pl.when(o < _NT // 2 - 1)
        def _():
            swait(b0, os0)
            gstart(i + 2, b0, gs0)

        sstart(i + 1, b1, os1)
        return carry

    lax.fori_loop(0, _NT // 2, outer, 0)
    swait(b0, os0)
    swait(b1, os1)


_S_ROWS = B * N
_S_PER_W = _S_ROWS // _NW


@functools.partial(
    pl.kernel,
    mesh=_mesh,
    out_type=jax.ShapeDtypeStruct((DUMP + B * N, C), jnp.float32),
    scratch_types=[
        pltpu.VMEM((128,), jnp.int32),
        pltpu.VMEM((128,), jnp.int32),
        pltpu.VMEM((_S_PER_W, C), jnp.float32),
        pltpu.SemaphoreType.DMA,
    ],
)
def _sc_scatter(rows_hbm, idx_hbm, out_hbm, idx_v0, idx_v1, rows_v, sem):
    wid = lax.axis_index("s") * _info.num_cores + lax.axis_index("c")
    wbase = wid * _S_PER_W
    pltpu.sync_copy(idx_hbm.at[pl.ds(wbase, 128)], idx_v0)
    pltpu.sync_copy(idx_hbm.at[pl.ds(wbase + 128, 128)], idx_v1)
    pltpu.sync_copy(rows_hbm.at[pl.ds(wbase, _S_PER_W)], rows_v)
    pltpu.async_copy(rows_v.at[pl.ds(0, 128)], out_hbm.at[idx_v0], sem)
    pltpu.async_copy(rows_v.at[pl.ds(128, 128)], out_hbm.at[idx_v1], sem)
    pltpu.make_async_copy(rows_v, out_hbm.at[pl.ds(0, _S_PER_W)], sem).wait()


def kernel(feat, W, b):
    feat_t = jnp.transpose(feat, (0, 2, 1))
    xx = jnp.sum(feat ** 2, axis=1, keepdims=True)
    xx_t = jnp.transpose(xx, (0, 2, 1))
    knn_idx = _knn_call(feat_t, feat, W, xx, xx_t)

    idx_t = jnp.transpose(knn_idx, (2, 0, 1)).reshape(_G_ROWS // 128, 128)
    nbr_flat = _sc_gather(feat_t.reshape(B * N, C), idx_t)
    nbr = nbr_flat.reshape(_L, B, N, C)

    w_col = jnp.transpose(W)
    b_arr = b.reshape(1, 1)
    scores_col = _score_call(nbr, feat_t, w_col, b_arr)
    scores_row = jnp.transpose(scores_col, (0, 2, 1))

    dest, scaled = _rank_call(scores_col, scores_row, feat_t)
    out_buf = _sc_scatter(scaled.reshape(B * N, C), dest.reshape(B * N))
    return out_buf[:B * NKP].reshape(B, NKP, C)

# --- scband reference (transcript-rebuilt; emitter-appended) ---
"""Pipeline reference for scband-edge-pooling-layer-21122649162142 (READ-ONLY COPY).

The authoritative reference and input builder live on the scoring server;
editing this copy changes nothing except your own understanding.
"""

import jax, jax.numpy as jnp
import numpy as np

B, C, N, K = 4, 128, 2048, 16
RATIO = 0.5


def setup_inputs(seed: int = 0) -> dict:
    key = jax.random.key(seed)
    k1, k2 = jax.random.split(key, 2)
    feat = jax.random.normal(k1, (B, C, N), dtype=jnp.float32)
    # Conv2d(2C -> 1, kernel_size=1) parameters
    W = jax.random.normal(k2, (1, 2 * C), dtype=jnp.float32) * (1.0 / np.sqrt(2 * C))
    b = jnp.zeros((1,), dtype=jnp.float32)
    return {"feat": feat, "W": W, "b": b}


def knn(x, k):
    # x: [B, C, N]
    inner = -2.0 * jnp.einsum('bcn,bcm->bnm', x, x)
    xx = jnp.sum(x ** 2, axis=1, keepdims=True)  # [B,1,N]
    pairwise_distance = -xx - inner - jnp.transpose(xx, (0, 2, 1))  # [B,N,N]
    _, idx = jax.lax.top_k(pairwise_distance, k)  # [B,N,k]
    return idx


def get_graph_feature(x, k):
    batch_size, num_dims, num_points = x.shape
    idx = knn(x, k)
    x_t = jnp.transpose(x, (0, 2, 1))  # [B,N,C]
    idx_base = jnp.arange(batch_size)[:, None, None] * num_points
    idx_flat = (idx + idx_base).reshape(-1)
    feature = x_t.reshape(batch_size * num_points, num_dims)[idx_flat, :]
    feature = feature.reshape(batch_size, num_points, k, num_dims)
    x_rep = jnp.broadcast_to(x_t[:, :, None, :], (batch_size, num_points, k, num_dims))
    feature = jnp.concatenate([feature - x_rep, x_rep], axis=3)
    return jnp.transpose(feature, (0, 3, 1, 2))  # [B, 2C, N, k]


def reference(feat, W, b):
    # feat: [B, C, N]
    x = get_graph_feature(feat, K)  # [B, 2C, N, k]
    # 1x1 Conv2d(2C -> 1)
    scores = jnp.einsum('oc,bcnk->bonk', W, x) + b[None, :, None, None]  # [B,1,N,k]
    scores = jax.nn.relu(jnp.max(scores, axis=-1))  # [B,1,N]
    num_keypoints = int(np.floor(N * RATIO))
    top, top_idxs = jax.lax.top_k(scores[:, 0, :], num_keypoints)  # [B, num_kp]
    feat_t = jnp.transpose(feat, (0, 2, 1))  # [B,N,C]
    new_feat = jnp.take_along_axis(feat_t, top_idxs[:, :, None], axis=1)  # [B,num_kp,C]
    new_feat = new_feat * jnp.tanh(top)[:, :, None]
    return new_feat

if __name__ == "__main__":
    import jax
    _d = setup_inputs()
    print(jax.jit(kernel)(*tuple(_d.values())))

</pallas_src>

<mosaic_0001>
#map = affine_map<(d0, d1) -> (0, 0)>
module attributes {stable_mosaic.version = 14 : i64} {
  func.func @_sc_gather(%arg0: i32, %arg1: i32, %arg2: memref<8192x128xf32, #tpu.memory_space<hbm>>, %arg3: memref<512x128xi32, #tpu.memory_space<hbm>>, %arg4: memref<65536x128xf32, #tpu.memory_space<hbm>>, %arg5: memref<16x128xi32, #tpu.memory_space<vmem>>, %arg6: memref<128x128xf32, #tpu.memory_space<vmem>>, %arg7: memref<128x128xf32, #tpu.memory_space<vmem>>, %arg8: memref<!tpu.dma_semaphore, #tpu.memory_space<semaphore_mem>>, %arg9: memref<!tpu.dma_semaphore, #tpu.memory_space<semaphore_mem>>, %arg10: memref<!tpu.dma_semaphore, #tpu.memory_space<semaphore_mem>>, %arg11: memref<!tpu.dma_semaphore, #tpu.memory_space<semaphore_mem>>) attributes {dimension_semantics = [#tpu.dimension_semantics<core_parallel>, #tpu.dimension_semantics<subcore_parallel>], iteration_bounds = array<i64: 2, 16>, scalar_prefetch = 0 : i64, scratch_operands = 7 : i64, tpu.core_type = #tpu.core_type<sc_vector_subcore>, window_params = [{transform_indices = #map}, {transform_indices = #map}, {transform_indices = #map}]} {
    %mul3A = arith.constant 2 : i32
    %mul3A_0 = arith.muli %arg1, %mul3A : i32
    %add3A = arith.addi %mul3A_0, %arg0 : i32
    %mul3A_1 = arith.constant 2048 : i32
    %mul3A_2 = arith.muli %add3A, %mul3A_1 : i32
    %mul3A_3 = arith.constant 16 : i32
    %mul3A_4 = arith.muli %add3A, %mul3A_3 : i32
    "tpu.region"() ({
      %run_scoped3A = tpu.sem_alloc : memref<!tpu.dma_semaphore, #tpu.memory_space<semaphore_mem>>
      %dma_start3A_27 = arith.constant 0 : i32
      %dma_start3A_28 = tpu.memref_slice %arg3[%mul3A_4, %dma_start3A_27] : memref<512x128xi32, #tpu.memory_space<hbm>> -> memref<16x128xi32, #tpu.memory_space<hbm>>
      %dma_start3A_29 = arith.constant 0 : i32
      %dma_start3A_30 = tpu.memref_slice %arg3[%mul3A_4, %dma_start3A_29] : memref<512x128xi32, #tpu.memory_space<hbm>> -> memref<16x128xi32, #tpu.memory_space<hbm>>
      tpu.enqueue_dma source(%dma_start3A_30 : memref<16x128xi32, #tpu.memory_space<hbm>>) target(%arg5 : memref<16x128xi32, #tpu.memory_space<vmem>>) target_semaphore(%run_scoped3A : memref<!tpu.dma_semaphore, #tpu.memory_space<semaphore_mem>>)
      %dma_wait3A_31 = arith.constant 0 : i32
      %dma_wait3A_32 = tpu.memref_slice %arg3[%mul3A_4, %dma_wait3A_31] : memref<512x128xi32, #tpu.memory_space<hbm>> -> memref<16x128xi32, #tpu.memory_space<hbm>>
      %dma_wait3A_33 = arith.constant 0 : i32
      %dma_wait3A_34 = tpu.memref_slice %arg3[%mul3A_4, %dma_wait3A_33] : memref<512x128xi32, #tpu.memory_space<hbm>> -> memref<16x128xi32, #tpu.memory_space<hbm>>
      tpu.wait_dma2 semaphore(%run_scoped3A : memref<!tpu.dma_semaphore, #tpu.memory_space<semaphore_mem>>) src(%dma_wait3A_34 : memref<16x128xi32, #tpu.memory_space<hbm>>) dst(%arg5 : memref<16x128xi32, #tpu.memory_space<vmem>>)
      tpu.yield
    }) : () -> ()
    %dma_start3A = arith.constant 0 : i32
    %dma_start3A_5 = arith.constant 0 : i32
    %dma_start3A_6 = tpu.memref_slice %arg5[%dma_start3A, %dma_start3A_5] : memref<16x128xi32, #tpu.memory_space<vmem>> -> memref<1x128xi32, #tpu.memory_space<vmem>>
    %dma_start3A_7 = tpu.memref_squeeze %dma_start3A_6 : memref<1x128xi32, #tpu.memory_space<vmem>> -> memref<128xi32, #tpu.memory_space<vmem>>
    %dma_start3A_8 = arith.constant 0 : i32
    %dma_start3A_9 = arith.constant 0 : i32
    %dma_start3A_10 = tpu.memref_slice %arg2[%dma_start3A_8, %dma_start3A_9] : memref<8192x128xf32, #tpu.memory_space<hbm>> -> memref<8192x128xf32, #tpu.memory_space<hbm>>
    tpu.enqueue_indirect_dma source(%dma_start3A_10 : memref<8192x128xf32, #tpu.memory_space<hbm>>) target(%arg6 : memref<128x128xf32, #tpu.memory_space<vmem>>) offsets(%dma_start3A_7 : memref<128xi32, #tpu.memory_space<vmem>>) semaphore(%arg8 : memref<!tpu.dma_semaphore, #tpu.memory_space<semaphore_mem>>)
    %scan3A = arith.constant 0 : i32
    %scan3A_11 = arith.constant 0 : i32
    %scan3A_12 = arith.constant 8 : i32
    %scan3A_13 = arith.addi %scan3A_11, %scan3A_12 : i32
    %scan3A_14 = arith.constant 1 : i32
    scf.for %scan3A_27 = %scan3A_11 to %scan3A_13 step %scan3A_14  : i32 {
      %mul3A_28 = arith.constant 2 : i32
      %mul3A_29 = arith.muli %mul3A_28, %scan3A_27 : i32
      %dma_wait3A_30 = arith.constant 0 : i32
      %dma_wait3A_31 = arith.constant 0 : i32
      %dma_wait3A_32 = tpu.memref_slice %arg4[%dma_wait3A_30, %dma_wait3A_31] : memref<65536x128xf32, #tpu.memory_space<hbm>> -> memref<128x128xf32, #tpu.memory_space<hbm>>
      %dma_wait3A_33 = arith.constant 0 : i32
      %dma_wait3A_34 = arith.constant 0 : i32
      %dma_wait3A_35 = tpu.memref_slice %arg4[%dma_wait3A_33, %dma_wait3A_34] : memref<65536x128xf32, #tpu.memory_space<hbm>> -> memref<128x128xf32, #tpu.memory_space<hbm>>
      tpu.wait_dma2 semaphore(%arg8 : memref<!tpu.dma_semaphore, #tpu.memory_space<semaphore_mem>>) src(%dma_wait3A_35 : memref<128x128xf32, #tpu.memory_space<hbm>>) dst(%arg6 : memref<128x128xf32, #tpu.memory_space<vmem>>)
      %gt3A = arith.constant 0 : i32
      %gt3A_36 = arith.cmpi sgt, %scan3A_27, %gt3A : i32
      %convert_element_type3A = arith.extui %gt3A_36 : i1 to i32
      %cond3A = arith.constant 0 : i32
      %cond3A_37 = arith.cmpi ne, %convert_element_type3A, %cond3A : i32
      scf.if %cond3A_37 {
        %dma_wait3A_72 = arith.constant 0 : i32
        %dma_wait3A_73 = arith.constant 0 : i32
        %dma_wait3A_74 = tpu.memref_slice %arg4[%dma_wait3A_72, %dma_wait3A_73] : memref<65536x128xf32, #tpu.memory_space<hbm>> -> memref<128x128xf32, #tpu.memory_space<hbm>>
        %dma_wait3A_75 = arith.constant 0 : i32
        %dma_wait3A_76 = arith.constant 0 : i32
        %dma_wait3A_77 = tpu.memref_slice %arg4[%dma_wait3A_75, %dma_wait3A_76] : memref<65536x128xf32, #tpu.memory_space<hbm>> -> memref<128x128xf32, #tpu.memory_space<hbm>>
        tpu.wait_dma2 semaphore(%arg11 : memref<!tpu.dma_semaphore, #tpu.memory_space<semaphore_mem>>) src(%arg7 : memref<128x128xf32, #tpu.memory_space<vmem>>) dst(%dma_wait3A_77 : memref<128x128xf32, #tpu.memory_space<hbm>>)
      } else {
      }
      %add3A_38 = arith.constant 1 : i32
      %add3A_39 = arith.addi %mul3A_29, %add3A_38 : i32
      %dma_start3A_40 = arith.constant 0 : i32
      %dma_start3A_41 = tpu.memref_slice %arg5[%add3A_39, %dma_start3A_40] : memref<16x128xi32, #tpu.memory_space<vmem>> -> memref<1x128xi32, #tpu.memory_space<vmem>>
      %dma_start3A_42 = tpu.memref_squeeze %dma_start3A_41 : memref<1x128xi32, #tpu.memory_space<vmem>> -> memref<128xi32, #tpu.memory_space<vmem>>
      %dma_start3A_43 = arith.constant 0 : i32
      %dma_start3A_44 = arith.constant 0 : i32
      %dma_start3A_45 = tpu.memref_slice %arg2[%dma_start3A_43, %dma_start3A_44] : memref<8192x128xf32, #tpu.memory_space<hbm>> -> memref<8192x128xf32, #tpu.memory_space<hbm>>
      tpu.enqueue_indirect_dma source(%dma_start3A_45 : memref<8192x128xf32, #tpu.memory_space<hbm>>) target(%arg7 : memref<128x128xf32, #tpu.memory_space<vmem>>) offsets(%dma_start3A_42 : memref<128xi32, #tpu.memory_space<vmem>>) semaphore(%arg9 : memref<!tpu.dma_semaphore, #tpu.memory_space<semaphore_mem>>)
      %mul3A_46 = arith.constant 128 : i32
      %mul3A_47 = arith.muli %mul3A_29, %mul3A_46 : i32
      %add3A_48 = arith.addi %mul3A_2, %mul3A_47 : i32
      %dma_start3A_49 = arith.constant 0 : i32
      %dma_start3A_50 = tpu.memref_slice %arg4[%add3A_48, %dma_start3A_49] : memref<65536x128xf32, #tpu.memory_space<hbm>> -> memref<128x128xf32, #tpu.memory_space<hbm>>
      %dma_start3A_51 = arith.constant 0 : i32
      %dma_start3A_52 = tpu.memref_slice %arg4[%add3A_48, %dma_start3A_51] : memref<65536x128xf32, #tpu.memory_space<hbm>> -> memref<128x128xf32, #tpu.memory_space<hbm>>
      tpu.enqueue_dma source(%arg6 : memref<128x128xf32, #tpu.memory_space<vmem>>) target(%dma_start3A_52 : memref<128x128xf32, #tpu.memory_space<hbm>>) target_semaphore(%arg10 : memref<!tpu.dma_semaphore, #tpu.memory_space<semaphore_mem>>)
      %dma_wait3A_53 = arith.constant 0 : i32
      %dma_wait3A_54 = arith.constant 0 : i32
      %dma_wait3A_55 = tpu.memref_slice %arg4[%dma_wait3A_53, %dma_wait3A_54] : memref<65536x128xf32, #tpu.memory_space<hbm>> -> memref<128x128xf32, #tpu.memory_space<hbm>>
      %dma_wait3A_56 = arith.constant 0 : i32
      %dma_wait3A_57 = arith.constant 0 : i32
      %dma_wait3A_58 = tpu.memref_slice %arg4[%dma_wait3A_56, %dma_wait3A_57] : memref<65536x128xf32, #tpu.memory_space<hbm>> -> memref<128x128xf32, #tpu.memory_space<hbm>>
      tpu.wait_dma2 semaphore(%arg9 : memref<!tpu.dma_semaphore, #tpu.memory_space<semaphore_mem>>) src(%dma_wait3A_58 : memref<128x128xf32, #tpu.memory_space<hbm>>) dst(%arg7 : memref<128x128xf32, #tpu.memory_space<vmem>>)
      %lt3A = arith.constant 7 : i32
      %lt3A_59 = arith.cmpi slt, %scan3A_27, %lt3A : i32
      %convert_element_type3A_60 = arith.extui %lt3A_59 : i1 to i32
      %cond3A_61 = arith.constant 0 : i32
      %cond3A_62 = arith.cmpi ne, %convert_element_type3A_60, %cond3A_61 : i32
      scf.if %cond3A_62 {
        %dma_wait3A_72 = arith.constant 0 : i32
        %dma_wait3A_73 = arith.constant 0 : i32
        %dma_wait3A_74 = tpu.memref_slice %arg4[%dma_wait3A_72, %dma_wait3A_73] : memref<65536x128xf32, #tpu.memory_space<hbm>> -> memref<128x128xf32, #tpu.memory_space<hbm>>
        %dma_wait3A_75 = arith.constant 0 : i32
        %dma_wait3A_76 = arith.constant 0 : i32
        %dma_wait3A_77 = tpu.memref_slice %arg4[%dma_wait3A_75, %dma_wait3A_76] : memref<65536x128xf32, #tpu.memory_space<hbm>> -> memref<128x128xf32, #tpu.memory_space<hbm>>
        tpu.wait_dma2 semaphore(%arg10 : memref<!tpu.dma_semaphore, #tpu.memory_space<semaphore_mem>>) src(%arg6 : memref<128x128xf32, #tpu.memory_space<vmem>>) dst(%dma_wait3A_77 : memref<128x128xf32, #tpu.memory_space<hbm>>)
        %add3A_78 = arith.constant 2 : i32
        %add3A_79 = arith.addi %mul3A_29, %add3A_78 : i32
        %dma_start3A_80 = arith.constant 0 : i32
        %dma_start3A_81 = tpu.memref_slice %arg5[%add3A_79, %dma_start3A_80] : memref<16x128xi32, #tpu.memory_space<vmem>> -> memref<1x128xi32, #tpu.memory_space<vmem>>
        %dma_start3A_82 = tpu.memref_squeeze %dma_start3A_81 : memref<1x128xi32, #tpu.memory_space<vmem>> -> memref<128xi32, #tpu.memory_space<vmem>>
        %dma_start3A_83 = arith.constant 0 : i32
        %dma_start3A_84 = arith.constant 0 : i32
        %dma_start3A_85 = tpu.memref_slice %arg2[%dma_start3A_83, %dma_start3A_84] : memref<8192x128xf32, #tpu.memory_space<hbm>> -> memref<8192x128xf32, #tpu.memory_space<hbm>>
        tpu.enqueue_indirect_dma source(%dma_start3A_85 : memref<8192x128xf32, #tpu.memory_space<hbm>>) target(%arg6 : memref<128x128xf32, #tpu.memory_space<vmem>>) offsets(%dma_start3A_82 : memref<128xi32, #tpu.memory_space<vmem>>) semaphore(%arg8 : memref<!tpu.dma_semaphore, #tpu.memory_space<semaphore_mem>>)
      } else {
      }
      %add3A_63 = arith.constant 1 : i32
      %add3A_64 = arith.addi %mul3A_29, %add3A_63 : i32
      %mul3A_65 = arith.constant 128 : i32
      %mul3A_66 = arith.muli %add3A_64, %mul3A_65 : i32
      %add3A_67 = arith.addi %mul3A_2, %mul3A_66 : i32
      %dma_start3A_68 = arith.constant 0 : i32
      %dma_start3A_69 = tpu.memref_slice %arg4[%add3A_67, %dma_start3A_68] : memref<65536x128xf32, #tpu.memory_space<hbm>> -> memref<128x128xf32, #tpu.memory_space<hbm>>
      %dma_start3A_70 = arith.constant 0 : i32
      %dma_start3A_71 = tpu.memref_slice %arg4[%add3A_67, %dma_start3A_70] : memref<65536x128xf32, #tpu.memory_space<hbm>> -> memref<128x128xf32, #tpu.memory_space<hbm>>
      tpu.enqueue_dma source(%arg7 : memref<128x128xf32, #tpu.memory_space<vmem>>) target(%dma_start3A_71 : memref<128x128xf32, #tpu.memory_space<hbm>>) target_semaphore(%arg11 : memref<!tpu.dma_semaphore, #tpu.memory_space<semaphore_mem>>)
    }
    %scan3A_15 = arith.constant 8 : i32
    %dma_wait3A = arith.constant 0 : i32
    %dma_wait3A_16 = arith.constant 0 : i32
    %dma_wait3A_17 = tpu.memref_slice %arg4[%dma_wait3A, %dma_wait3A_16] : memref<65536x128xf32, #tpu.memory_space<hbm>> -> memref<128x128xf32, #tpu.memory_space<hbm>>
    %dma_wait3A_18 = arith.constant 0 : i32
    %dma_wait3A_19 = arith.constant 0 : i32
    %dma_wait3A_20 = tpu.memref_slice %arg4[%dma_wait3A_18, %dma_wait3A_19] : memref<65536x128xf32, #tpu.memory_space<hbm>> -> memref<128x128xf32, #tpu.memory_space<hbm>>
    tpu.wait_dma2 semaphore(%arg10 : memref<!tpu.dma_semaphore, #tpu.memory_space<semaphore_mem>>) src(%arg6 : memref<128x128xf32, #tpu.memory_space<vmem>>) dst(%dma_wait3A_20 : memref<128x128xf32, #tpu.memory_space<hbm>>)
    %dma_wait3A_21 = arith.constant 0 : i32
    %dma_wait3A_22 = arith.constant 0 : i32
    %dma_wait3A_23 = tpu.memref_slice %arg4[%dma_wait3A_21, %dma_wait3A_22] : memref<65536x128xf32, #tpu.memory_space<hbm>> -> memref<128x128xf32, #tpu.memory_space<hbm>>
    %dma_wait3A_24 = arith.constant 0 : i32
    %dma_wait3A_25 = arith.constant 0 : i32
    %dma_wait3A_26 = tpu.memref_slice %arg4[%dma_wait3A_24, %dma_wait3A_25] : memref<65536x128xf32, #tpu.memory_space<hbm>> -> memref<128x128xf32, #tpu.memory_space<hbm>>
    tpu.wait_dma2 semaphore(%arg11 : memref<!tpu.dma_semaphore, #tpu.memory_space<semaphore_mem>>) src(%arg7 : memref<128x128xf32, #tpu.memory_space<vmem>>) dst(%dma_wait3A_26 : memref<128x128xf32, #tpu.memory_space<hbm>>)
    return
  }
}

#map = affine_map<(d0, d1) -> (0, 0)>
#map1 = affine_map<(d0, d1) -> (0)>
module attributes {stable_mosaic.version = 14 : i64} {
  func.func @_sc_scatter(%arg0: i32, %arg1: i32, %arg2: memref<8192x128xf32, #tpu.memory_space<hbm>>, %arg3: memref<8192xi32, #tpu.memory_space<hbm>>, %arg4: memref<12288x128xf32, #tpu.memory_space<hbm>>, %arg5: memref<128xi32, #tpu.memory_space<vmem>>, %arg6: memref<128xi32, #tpu.memory_space<vmem>>, %arg7: memref<256x128xf32, #tpu.memory_space<vmem>>, %arg8: memref<!tpu.dma_semaphore, #tpu.memory_space<semaphore_mem>>) attributes {dimension_semantics = [#tpu.dimension_semantics<core_parallel>, #tpu.dimension_semantics<subcore_parallel>], iteration_bounds = array<i64: 2, 16>, scalar_prefetch = 0 : i64, scratch_operands = 4 : i64, tpu.core_type = #tpu.core_type<sc_vector_subcore>, window_params = [{transform_indices = #map}, {transform_indices = #map1}, {transform_indices = #map}]} {
    %mul3A = arith.constant 2 : i32
    %mul3A_0 = arith.muli %arg1, %mul3A : i32
    %add3A = arith.addi %mul3A_0, %arg0 : i32
    %mul3A_1 = arith.constant 256 : i32
    %mul3A_2 = arith.muli %add3A, %mul3A_1 : i32
    "tpu.region"() ({
      %run_scoped3A = tpu.sem_alloc : memref<!tpu.dma_semaphore, #tpu.memory_space<semaphore_mem>>
      %dma_start3A_21 = tpu.memref_slice %arg3[%mul3A_2] : memref<8192xi32, #tpu.memory_space<hbm>> -> memref<128xi32, #tpu.memory_space<hbm>>
      %dma_start3A_22 = tpu.memref_slice %arg3[%mul3A_2] : memref<8192xi32, #tpu.memory_space<hbm>> -> memref<128xi32, #tpu.memory_space<hbm>>
      tpu.enqueue_dma source(%dma_start3A_22 : memref<128xi32, #tpu.memory_space<hbm>>) target(%arg5 : memref<128xi32, #tpu.memory_space<vmem>>) target_semaphore(%run_scoped3A : memref<!tpu.dma_semaphore, #tpu.memory_space<semaphore_mem>>)
      %dma_wait3A_23 = tpu.memref_slice %arg3[%mul3A_2] : memref<8192xi32, #tpu.memory_space<hbm>> -> memref<128xi32, #tpu.memory_space<hbm>>
      %dma_wait3A_24 = tpu.memref_slice %arg3[%mul3A_2] : memref<8192xi32, #tpu.memory_space<hbm>> -> memref<128xi32, #tpu.memory_space<hbm>>
      tpu.wait_dma2 semaphore(%run_scoped3A : memref<!tpu.dma_semaphore, #tpu.memory_space<semaphore_mem>>) src(%dma_wait3A_24 : memref<128xi32, #tpu.memory_space<hbm>>) dst(%arg5 : memref<128xi32, #tpu.memory_space<vmem>>)
      tpu.yield
    }) : () -> ()
    %add3A_3 = arith.constant 128 : i32
    %add3A_4 = arith.addi %mul3A_2, %add3A_3 : i32
    "tpu.region"() ({
      %run_scoped3A = tpu.sem_alloc : memref<!tpu.dma_semaphore, #tpu.memory_space<semaphore_mem>>
      %dma_start3A_21 = tpu.memref_slice %arg3[%add3A_4] : memref<8192xi32, #tpu.memory_space<hbm>> -> memref<128xi32, #tpu.memory_space<hbm>>
      %dma_start3A_22 = tpu.memref_slice %arg3[%add3A_4] : memref<8192xi32, #tpu.memory_space<hbm>> -> memref<128xi32, #tpu.memory_space<hbm>>
      tpu.enqueue_dma source(%dma_start3A_22 : memref<128xi32, #tpu.memory_space<hbm>>) target(%arg6 : memref<128xi32, #tpu.memory_space<vmem>>) target_semaphore(%run_scoped3A : memref<!tpu.dma_semaphore, #tpu.memory_space<semaphore_mem>>)
      %dma_wait3A_23 = tpu.memref_slice %arg3[%add3A_4] : memref<8192xi32, #tpu.memory_space<hbm>> -> memref<128xi32, #tpu.memory_space<hbm>>
      %dma_wait3A_24 = tpu.memref_slice %arg3[%add3A_4] : memref<8192xi32, #tpu.memory_space<hbm>> -> memref<128xi32, #tpu.memory_space<hbm>>
      tpu.wait_dma2 semaphore(%run_scoped3A : memref<!tpu.dma_semaphore, #tpu.memory_space<semaphore_mem>>) src(%dma_wait3A_24 : memref<128xi32, #tpu.memory_space<hbm>>) dst(%arg6 : memref<128xi32, #tpu.memory_space<vmem>>)
      tpu.yield
    }) : () -> ()
    "tpu.region"() ({
      %run_scoped3A = tpu.sem_alloc : memref<!tpu.dma_semaphore, #tpu.memory_space<semaphore_mem>>
      %dma_start3A_21 = arith.constant 0 : i32
      %dma_start3A_22 = tpu.memref_slice %arg2[%mul3A_2, %dma_start3A_21] : memref<8192x128xf32, #tpu.memory_space<hbm>> -> memref<256x128xf32, #tpu.memory_space<hbm>>
      %dma_start3A_23 = arith.constant 0 : i32
      %dma_start3A_24 = tpu.memref_slice %arg2[%mul3A_2, %dma_start3A_23] : memref<8192x128xf32, #tpu.memory_space<hbm>> -> memref<256x128xf32, #tpu.memory_space<hbm>>
      tpu.enqueue_dma source(%dma_start3A_24 : memref<256x128xf32, #tpu.memory_space<hbm>>) target(%arg7 : memref<256x128xf32, #tpu.memory_space<vmem>>) target_semaphore(%run_scoped3A : memref<!tpu.dma_semaphore, #tpu.memory_space<semaphore_mem>>)
      %dma_wait3A_25 = arith.constant 0 : i32
      %dma_wait3A_26 = tpu.memref_slice %arg2[%mul3A_2, %dma_wait3A_25] : memref<8192x128xf32, #tpu.memory_space<hbm>> -> memref<256x128xf32, #tpu.memory_space<hbm>>
      %dma_wait3A_27 = arith.constant 0 : i32
      %dma_wait3A_28 = tpu.memref_slice %arg2[%mul3A_2, %dma_wait3A_27] : memref<8192x128xf32, #tpu.memory_space<hbm>> -> memref<256x128xf32, #tpu.memory_space<hbm>>
      tpu.wait_dma2 semaphore(%run_scoped3A : memref<!tpu.dma_semaphore, #tpu.memory_space<semaphore_mem>>) src(%dma_wait3A_28 : memref<256x128xf32, #tpu.memory_space<hbm>>) dst(%arg7 : memref<256x128xf32, #tpu.memory_space<vmem>>)
      tpu.yield
    }) : () -> ()
    %dma_start3A = arith.constant 0 : i32
    %dma_start3A_5 = arith.constant 0 : i32
    %dma_start3A_6 = tpu.memref_slice %arg7[%dma_start3A, %dma_start3A_5] : memref<256x128xf32, #tpu.memory_space<vmem>> -> memref<128x128xf32, #tpu.memory_space<vmem>>
    %dma_start3A_7 = arith.constant 0 : i32
    %dma_start3A_8 = arith.constant 0 : i32
    %dma_start3A_9 = tpu.memref_slice %arg4[%dma_start3A_7, %dma_start3A_8] : memref<12288x128xf32, #tpu.memory_space<hbm>> -> memref<12288x128xf32, #tpu.memory_space<hbm>>
    tpu.enqueue_indirect_dma source(%dma_start3A_6 : memref<128x128xf32, #tpu.memory_space<vmem>>) target(%dma_start3A_9 : memref<12288x128xf32, #tpu.memory_space<hbm>>) offsets(%arg5 : memref<128xi32, #tpu.memory_space<vmem>>) semaphore(%arg8 : memref<!tpu.dma_semaphore, #tpu.memory_space<semaphore_mem>>)
    %dma_start3A_10 = arith.constant 128 : i32
    %dma_start3A_11 = arith.constant 0 : i32
    %dma_start3A_12 = tpu.memref_slice %arg7[%dma_start3A_10, %dma_start3A_11] : memref<256x128xf32, #tpu.memory_space<vmem>> -> memref<128x128xf32, #tpu.memory_space<vmem>>
    %dma_start3A_13 = arith.constant 0 : i32
    %dma_start3A_14 = arith.constant 0 : i32
    %dma_start3A_15 = tpu.memref_slice %arg4[%dma_start3A_13, %dma_start3A_14] : memref<12288x128xf32, #tpu.memory_space<hbm>> -> memref<12288x128xf32, #tpu.memory_space<hbm>>
    tpu.enqueue_indirect_dma source(%dma_start3A_12 : memref<128x128xf32, #tpu.memory_space<vmem>>) target(%dma_start3A_15 : memref<12288x128xf32, #tpu.memory_space<hbm>>) offsets(%arg6 : memref<128xi32, #tpu.memory_space<vmem>>) semaphore(%arg8 : memref<!tpu.dma_semaphore, #tpu.memory_space<semaphore_mem>>)
    %dma_wait3A = arith.constant 0 : i32
    %dma_wait3A_16 = arith.constant 0 : i32
    %dma_wait3A_17 = tpu.memref_slice %arg4[%dma_wait3A, %dma_wait3A_16] : memref<12288x128xf32, #tpu.memory_space<hbm>> -> memref<256x128xf32, #tpu.memory_space<hbm>>
    %dma_wait3A_18 = arith.constant 0 : i32
    %dma_wait3A_19 = arith.constant 0 : i32
    %dma_wait3A_20 = tpu.memref_slice %arg4[%dma_wait3A_18, %dma_wait3A_19] : memref<12288x128xf32, #tpu.memory_space<hbm>> -> memref<256x128xf32, #tpu.memory_space<hbm>>
    tpu.wait_dma2 semaphore(%arg8 : memref<!tpu.dma_semaphore, #tpu.memory_space<semaphore_mem>>) src(%arg7 : memref<256x128xf32, #tpu.memory_space<vmem>>) dst(%dma_wait3A_20 : memref<256x128xf32, #tpu.memory_space<hbm>>)
    return
  }
}

module attributes {stable_mosaic.version = 14 : i64} {
  func.func @_knn_body(%arg0: i32, %arg1: i32, %arg2: memref<1x256x128xf32, #tpu.memory_space<vmem>>, %arg3: memref<1x128x2048xf32, #tpu.memory_space<vmem>>, %arg4: memref<1x256xf32, #tpu.memory_space<vmem>>, %arg5: memref<1x1x2048xf32, #tpu.memory_space<vmem>>, %arg6: memref<1x256x1xf32, #tpu.memory_space<vmem>>, %arg7: memref<1x256x8xi32, #tpu.memory_space<vmem>>) attributes {dimension_semantics = [#tpu.dimension_semantics<arbitrary>, #tpu.dimension_semantics<arbitrary>], iteration_bounds = array<i64: 4, 8>, scalar_prefetch = 0 : i64, scratch_operands = 0 : i64, tpu.core_type = #tpu.core_type<tc>, window_params = [{transform_indices = @transform_0, window_bounds = array<i64: 1, 256, 128>}, {transform_indices = @transform_1, window_bounds = array<i64: 1, 128, 2048>}, {pipeline_mode = #tpu.pipeline_mode<synchronous>, transform_indices = @transform_2, window_bounds = array<i64: 1, 256>}, {transform_indices = @transform_3, window_bounds = array<i64: 1, 1, 2048>}, {transform_indices = @transform_4, window_bounds = array<i64: 1, 256, 1>}, {transform_indices = @transform_5, window_bounds = array<i64: 1, 256, 8>}]} {
    %get3A = arith.constant 0 : index
    %get3A_0 = arith.constant 0 : index
    %get3A_1 = arith.constant 0 : index
    %get3A_2 = vector.load %arg2[%get3A, %get3A_0, %get3A_1] : memref<1x256x128xf32, #tpu.memory_space<vmem>>, vector<1x256x128xf32>
    %get3A_3 = vector.shape_cast %get3A_2 : vector<1x256x128xf32> to vector<256x128xf32>
    %get3A_4 = arith.constant 0 : index
    %get3A_5 = arith.constant 0 : index
    %get3A_6 = arith.constant 0 : index
    %get3A_7 = vector.load %arg3[%get3A_4, %get3A_5, %get3A_6] : memref<1x128x2048xf32, #tpu.memory_space<vmem>>, vector<1x128x2048xf32>
    %get3A_8 = vector.shape_cast %get3A_7 : vector<1x128x2048xf32> to vector<128x2048xf32>
    %dot_general3A = arith.constant dense<0.000000e+00> : vector<256x2048xf32>
    %dot_general3A_9 = tpu.matmul %get3A_3, %get3A_8, %dot_general3A {dimension_numbers = #tpu.dot_dimension_numbers<[1], [0], [0], [1], [0, 0, 1, 1], [], []>, transpose_lhs_hint = false} : vector<256x128xf32>, vector<128x2048xf32>, vector<256x2048xf32> -> vector<256x2048xf32>
    %mul3A = arith.constant -2.000000e+00 : f32
    %mul3A_10 = vector.broadcast %mul3A : f32 to vector<256x2048xf32>
    %mul3A_11 = arith.mulf %mul3A_10, %dot_general3A_9 : vector<256x2048xf32>
    %get3A_12 = arith.constant 0 : index
    %get3A_13 = arith.constant 0 : index
    %get3A_14 = arith.constant 0 : index
    %get3A_15 = vector.load %arg5[%get3A_12, %get3A_13, %get3A_14] : memref<1x1x2048xf32, #tpu.memory_space<vmem>>, vector<1x1x2048xf32>
    %get3A_16 = vector.shape_cast %get3A_15 : vector<1x1x2048xf32> to vector<1x2048xf32>
    %get3A_17 = arith.constant 0 : index
    %get3A_18 = arith.constant 0 : index
    %get3A_19 = arith.constant 0 : index
    %get3A_20 = vector.load %arg6[%get3A_17, %get3A_18, %get3A_19] : memref<1x256x1xf32, #tpu.memory_space<vmem>>, vector<1x256x1xf32>
    %get3A_21 = vector.shape_cast %get3A_20 : vector<1x256x1xf32> to vector<256x1xf32>
    %neg3A = arith.constant 0.000000e+00 : f32
    %neg3A_22 = vector.broadcast %neg3A : f32 to vector<256x1xf32>
    %neg3A_23 = arith.subf %neg3A_22, %get3A_21 : vector<256x1xf32>
    %sub3A = vector.broadcast %neg3A_23 : vector<256x1xf32> to vector<256x2048xf32>
    %sub3A_24 = arith.subf %sub3A, %mul3A_11 : vector<256x2048xf32>
    %sub3A_25 = vector.broadcast %get3A_16 : vector<1x2048xf32> to vector<256x2048xf32>
    %sub3A_26 = arith.subf %sub3A_24, %sub3A_25 : vector<256x2048xf32>
    %get3A_27 = arith.constant 0 : index
    %get3A_28 = arith.constant 0 : index
    %get3A_29 = vector.load %arg4[%get3A_27, %get3A_28] : memref<1x256xf32, #tpu.memory_space<vmem>>, vector<1x128xf32>
    %dot_general3A_30 = arith.constant dense<0.000000e+00> : vector<1x2048xf32>
    %dot_general3A_31 = tpu.matmul %get3A_29, %get3A_8, %dot_general3A_30 {dimension_numbers = #tpu.dot_dimension_numbers<[1], [0], [0], [1], [0, 0, 1, 1], [], []>, transpose_lhs_hint = false} : vector<1x128xf32>, vector<128x2048xf32>, vector<1x2048xf32> -> vector<1x2048xf32>
    %iota3A = tpu.iota {dimensions = array<i32: 1>} : vector<256x2048xi32>
    %reduce_max3A = arith.constant dense<0xFF800000> : vector<256xf32>
    %reduce_max3A_32 = vector.multi_reduction <maximumf>, %sub3A_26, %reduce_max3A [1] : vector<256x2048xf32> to vector<256xf32>
    %broadcast_in_dim3A = vector.shape_cast %reduce_max3A_32 : vector<256xf32> to vector<256x1xf32>
    %eq3A = vector.broadcast %broadcast_in_dim3A : vector<256x1xf32> to vector<256x2048xf32>
    %eq3A_33 = arith.cmpf oeq, %sub3A_26, %eq3A : vector<256x2048xf32>
    %jit3A = arith.constant 0xFF800000 : f32
    %broadcast_in_dim3A_34 = vector.broadcast %jit3A : f32 to vector<256x2048xf32>
    %select_n3A = arith.select %eq3A_33, %broadcast_in_dim3A_34, %sub3A_26 : vector<256x2048xi1>, vector<256x2048xf32>
    %reduce_max3A_35 = arith.constant dense<0xFF800000> : vector<256xf32>
    %reduce_max3A_36 = vector.multi_reduction <maximumf>, %select_n3A, %reduce_max3A_35 [1] : vector<256x2048xf32> to vector<256xf32>
    %broadcast_in_dim3A_37 = vector.shape_cast %reduce_max3A_36 : vector<256xf32> to vector<256x1xf32>
    %eq3A_38 = vector.broadcast %broadcast_in_dim3A_37 : vector<256x1xf32> to vector<256x2048xf32>
    %eq3A_39 = arith.cmpf oeq, %select_n3A, %eq3A_38 : vector<256x2048xf32>
    %jit3A_40 = arith.constant 0xFF800000 : f32
    %broadcast_in_dim3A_41 = vector.broadcast %jit3A_40 : f32 to vector<256x2048xf32>
    %select_n3A_42 = arith.select %eq3A_39, %broadcast_in_dim3A_41, %select_n3A : vector<256x2048xi1>, vector<256x2048xf32>
    %reduce_max3A_43 = arith.constant dense<0xFF800000> : vector<256xf32>
    %reduce_max3A_44 = vector.multi_reduction <maximumf>, %select_n3A_42, %reduce_max3A_43 [1] : vector<256x2048xf32> to vector<256xf32>
    %broadcast_in_dim3A_45 = vector.shape_cast %reduce_max3A_44 : vector<256xf32> to vector<256x1xf32>
    %eq3A_46 = vector.broadcast %broadcast_in_dim3A_45 : vector<256x1xf32> to vector<256x2048xf32>
    %eq3A_47 = arith.cmpf oeq, %select_n3A_42, %eq3A_46 : vector<256x2048xf32>
    %jit3A_48 = arith.constant 0xFF800000 : f32
    %broadcast_in_dim3A_49 = vector.broadcast %jit3A_48 : f32 to vector<256x2048xf32>
    %select_n3A_50 = arith.select %eq3A_47, %broadcast_in_dim3A_49, %select_n3A_42 : vector<256x2048xi1>, vector<256x2048xf32>
    %reduce_max3A_51 = arith.constant dense<0xFF800000> : vector<256xf32>
    %reduce_max3A_52 = vector.multi_reduction <maximumf>, %select_n3A_50, %reduce_max3A_51 [1] : vector<256x2048xf32> to vector<256xf32>
    %broadcast_in_dim3A_53 = vector.shape_cast %reduce_max3A_52 : vector<256xf32> to vector<256x1xf32>
    %eq3A_54 = vector.broadcast %broadcast_in_dim3A_53 : vector<256x1xf32> to vector<256x2048xf32>
    %eq3A_55 = arith.cmpf oeq, %select_n3A_50, %eq3A_54 : vector<256x2048xf32>
    %jit3A_56 = arith.constant 0xFF800000 : f32
    %broadcast_in_dim3A_57 = vector.broadcast %jit3A_56 : f32 to vector<256x2048xf32>
    %select_n3A_58 = arith.select %eq3A_55, %broadcast_in_dim3A_57, %select_n3A_50 : vector<256x2048xi1>, vector<256x2048xf32>
    %reduce_max3A_59 = arith.constant dense<0xFF800000> : vector<256xf32>
    %reduce_max3A_60 = vector.multi_reduction <maximumf>, %select_n3A_58, %reduce_max3A_59 [1] : vector<256x2048xf32> to vector<256xf32>
    %broadcast_in_dim3A_61 = vector.shape_cast %reduce_max3A_60 : vector<256xf32> to vector<256x1xf32>
    %eq3A_62 = vector.broadcast %broadcast_in_dim3A_61 : vector<256x1xf32> to vector<256x2048xf32>
    %eq3A_63 = arith.cmpf oeq, %select_n3A_58, %eq3A_62 : vector<256x2048xf32>
    %jit3A_64 = arith.constant 0xFF800000 : f32
    %broadcast_in_dim3A_65 = vector.broadcast %jit3A_64 : f32 to vector<256x2048xf32>
    %select_n3A_66 = arith.select %eq3A_63, %broadcast_in_dim3A_65, %select_n3A_58 : vector<256x2048xi1>, vector<256x2048xf32>
    %reduce_max3A_67 = arith.constant dense<0xFF800000> : vector<256xf32>
    %reduce_max3A_68 = vector.multi_reduction <maximumf>, %select_n3A_66, %reduce_max3A_67 [1] : vector<256x2048xf32> to vector<256xf32>
    %broadcast_in_dim3A_69 = vector.shape_cast %reduce_max3A_68 : vector<256xf32> to vector<256x1xf32>
    %eq3A_70 = vector.broadcast %broadcast_in_dim3A_69 : vector<256x1xf32> to vector<256x2048xf32>
    %eq3A_71 = arith.cmpf oeq, %select_n3A_66, %eq3A_70 : vector<256x2048xf32>
    %jit3A_72 = arith.constant 0xFF800000 : f32
    %broadcast_in_dim3A_73 = vector.broadcast %jit3A_72 : f32 to vector<256x2048xf32>
    %select_n3A_74 = arith.select %eq3A_71, %broadcast_in_dim3A_73, %select_n3A_66 : vector<256x2048xi1>, vector<256x2048xf32>
    %reduce_max3A_75 = arith.constant dense<0xFF800000> : vector<256xf32>
    %reduce_max3A_76 = vector.multi_reduction <maximumf>, %select_n3A_74, %reduce_max3A_75 [1] : vector<256x2048xf32> to vector<256xf32>
    %broadcast_in_dim3A_77 = vector.shape_cast %reduce_max3A_76 : vector<256xf32> to vector<256x1xf32>
    %eq3A_78 = vector.broadcast %broadcast_in_dim3A_77 : vector<256x1xf32> to vector<256x2048xf32>
    %eq3A_79 = arith.cmpf oeq, %select_n3A_74, %eq3A_78 : vector<256x2048xf32>
    %jit3A_80 = arith.constant 0xFF800000 : f32
    %broadcast_in_dim3A_81 = vector.broadcast %jit3A_80 : f32 to vector<256x2048xf32>
    %select_n3A_82 = arith.select %eq3A_79, %broadcast_in_dim3A_81, %select_n3A_74 : vector<256x2048xi1>, vector<256x2048xf32>
    %reduce_max3A_83 = arith.constant dense<0xFF800000> : vector<256xf32>
    %reduce_max3A_84 = vector.multi_reduction <maximumf>, %select_n3A_82, %reduce_max3A_83 [1] : vector<256x2048xf32> to vector<256xf32>
    %broadcast_in_dim3A_85 = vector.shape_cast %reduce_max3A_84 : vector<256xf32> to vector<256x1xf32>
    %eq3A_86 = vector.broadcast %broadcast_in_dim3A_85 : vector<256x1xf32> to vector<256x2048xf32>
    %eq3A_87 = arith.cmpf oeq, %select_n3A_82, %eq3A_86 : vector<256x2048xf32>
    %jit3A_88 = arith.constant 0xFF800000 : f32
    %broadcast_in_dim3A_89 = vector.broadcast %jit3A_88 : f32 to vector<256x2048xf32>
    %select_n3A_90 = arith.select %eq3A_87, %broadcast_in_dim3A_89, %select_n3A_82 : vector<256x2048xi1>, vector<256x2048xf32>
    %reduce_max3A_91 = arith.constant dense<0xFF800000> : vector<256xf32>
    %reduce_max3A_92 = vector.multi_reduction <maximumf>, %select_n3A_90, %reduce_max3A_91 [1] : vector<256x2048xf32> to vector<256xf32>
    %broadcast_in_dim3A_93 = vector.shape_cast %reduce_max3A_92 : vector<256xf32> to vector<256x1xf32>
    %eq3A_94 = vector.broadcast %broadcast_in_dim3A_93 : vector<256x1xf32> to vector<256x2048xf32>
    %eq3A_95 = arith.cmpf oeq, %select_n3A_90, %eq3A_94 : vector<256x2048xf32>
    %jit3A_96 = arith.constant 0xFF800000 : f32
    %broadcast_in_dim3A_97 = vector.broadcast %jit3A_96 : f32 to vector<256x2048xf32>
    %select_n3A_98 = arith.select %eq3A_95, %broadcast_in_dim3A_97, %select_n3A_90 : vector<256x2048xi1>, vector<256x2048xf32>
    %reduce_max3A_99 = arith.constant dense<0xFF800000> : vector<256xf32>
    %reduce_max3A_100 = vector.multi_reduction <maximumf>, %select_n3A_98, %reduce_max3A_99 [1] : vector<256x2048xf32> to vector<256xf32>
    %broadcast_in_dim3A_101 = vector.shape_cast %reduce_max3A_100 : vector<256xf32> to vector<256x1xf32>
    %eq3A_102 = vector.broadcast %broadcast_in_dim3A_101 : vector<256x1xf32> to vector<256x2048xf32>
    %eq3A_103 = arith.cmpf oeq, %select_n3A_98, %eq3A_102 : vector<256x2048xf32>
    %jit3A_104 = arith.constant 0xFF800000 : f32
    %broadcast_in_dim3A_105 = vector.broadcast %jit3A_104 : f32 to vector<256x2048xf32>
    %select_n3A_106 = arith.select %eq3A_103, %broadcast_in_dim3A_105, %select_n3A_98 : vector<256x2048xi1>, vector<256x2048xf32>
    %reduce_max3A_107 = arith.constant dense<0xFF800000> : vector<256xf32>
    %reduce_max3A_108 = vector.multi_reduction <maximumf>, %select_n3A_106, %reduce_max3A_107 [1] : vector<256x2048xf32> to vector<256xf32>
    %broadcast_in_dim3A_109 = vector.shape_cast %reduce_max3A_108 : vector<256xf32> to vector<256x1xf32>
    %eq3A_110 = vector.broadcast %broadcast_in_dim3A_109 : vector<256x1xf32> to vector<256x2048xf32>
    %eq3A_111 = arith.cmpf oeq, %select_n3A_106, %eq3A_110 : vector<256x2048xf32>
    %jit3A_112 = arith.constant 0xFF800000 : f32
    %broadcast_in_dim3A_113 = vector.broadcast %jit3A_112 : f32 to vector<256x2048xf32>
    %select_n3A_114 = arith.select %eq3A_111, %broadcast_in_dim3A_113, %select_n3A_106 : vector<256x2048xi1>, vector<256x2048xf32>
    %reduce_max3A_115 = arith.constant dense<0xFF800000> : vector<256xf32>
    %reduce_max3A_116 = vector.multi_reduction <maximumf>, %select_n3A_114, %reduce_max3A_115 [1] : vector<256x2048xf32> to vector<256xf32>
    %broadcast_in_dim3A_117 = vector.shape_cast %reduce_max3A_116 : vector<256xf32> to vector<256x1xf32>
    %eq3A_118 = vector.broadcast %broadcast_in_dim3A_117 : vector<256x1xf32> to vector<256x2048xf32>
    %eq3A_119 = arith.cmpf oeq, %select_n3A_114, %eq3A_118 : vector<256x2048xf32>
    %jit3A_120 = arith.constant 0xFF800000 : f32
    %broadcast_in_dim3A_121 = vector.broadcast %jit3A_120 : f32 to vector<256x2048xf32>
    %select_n3A_122 = arith.select %eq3A_119, %broadcast_in_dim3A_121, %select_n3A_114 : vector<256x2048xi1>, vector<256x2048xf32>
    %reduce_max3A_123 = arith.constant dense<0xFF800000> : vector<256xf32>
    %reduce_max3A_124 = vector.multi_reduction <maximumf>, %select_n3A_122, %reduce_max3A_123 [1] : vector<256x2048xf32> to vector<256xf32>
    %broadcast_in_dim3A_125 = vector.shape_cast %reduce_max3A_124 : vector<256xf32> to vector<256x1xf32>
    %eq3A_126 = vector.broadcast %broadcast_in_dim3A_125 : vector<256x1xf32> to vector<256x2048xf32>
    %eq3A_127 = arith.cmpf oeq, %select_n3A_122, %eq3A_126 : vector<256x2048xf32>
    %jit3A_128 = arith.constant 0xFF800000 : f32
    %broadcast_in_dim3A_129 = vector.broadcast %jit3A_128 : f32 to vector<256x2048xf32>
    %select_n3A_130 = arith.select %eq3A_127, %broadcast_in_dim3A_129, %select_n3A_122 : vector<256x2048xi1>, vector<256x2048xf32>
    %reduce_max3A_131 = arith.constant dense<0xFF800000> : vector<256xf32>
    %reduce_max3A_132 = vector.multi_reduction <maximumf>, %select_n3A_130, %reduce_max3A_131 [1] : vector<256x2048xf32> to vector<256xf32>
    %broadcast_in_dim3A_133 = vector.shape_cast %reduce_max3A_132 : vector<256xf32> to vector<256x1xf32>
    %eq3A_134 = vector.broadcast %broadcast_in_dim3A_133 : vector<256x1xf32> to vector<256x2048xf32>
    %eq3A_135 = arith.cmpf oeq, %select_n3A_130, %eq3A_134 : vector<256x2048xf32>
    %jit3A_136 = arith.constant 0xFF800000 : f32
    %broadcast_in_dim3A_137 = vector.broadcast %jit3A_136 : f32 to vector<256x2048xf32>
    %select_n3A_138 = arith.select %eq3A_135, %broadcast_in_dim3A_137, %select_n3A_130 : vector<256x2048xi1>, vector<256x2048xf32>
    %reduce_max3A_139 = arith.constant dense<0xFF800000> : vector<256xf32>
    %reduce_max3A_140 = vector.multi_reduction <maximumf>, %select_n3A_138, %reduce_max3A_139 [1] : vector<256x2048xf32> to vector<256xf32>
    %broadcast_in_dim3A_141 = vector.shape_cast %reduce_max3A_140 : vector<256xf32> to vector<256x1xf32>
    %eq3A_142 = vector.broadcast %broadcast_in_dim3A_141 : vector<256x1xf32> to vector<256x2048xf32>
    %eq3A_143 = arith.cmpf oeq, %select_n3A_138, %eq3A_142 : vector<256x2048xf32>
    %jit3A_144 = arith.constant 0xFF800000 : f32
    %broadcast_in_dim3A_145 = vector.broadcast %jit3A_144 : f32 to vector<256x2048xf32>
    %select_n3A_146 = arith.select %eq3A_143, %broadcast_in_dim3A_145, %select_n3A_138 : vector<256x2048xi1>, vector<256x2048xf32>
    %reduce_max3A_147 = arith.constant dense<0xFF800000> : vector<256xf32>
    %reduce_max3A_148 = vector.multi_reduction <maximumf>, %select_n3A_146, %reduce_max3A_147 [1] : vector<256x2048xf32> to vector<256xf32>
    %broadcast_in_dim3A_149 = vector.shape_cast %reduce_max3A_148 : vector<256xf32> to vector<256x1xf32>
    %eq3A_150 = vector.broadcast %broadcast_in_dim3A_149 : vector<256x1xf32> to vector<256x2048xf32>
    %eq3A_151 = arith.cmpf oeq, %select_n3A_146, %eq3A_150 : vector<256x2048xf32>
    %jit3A_152 = arith.constant 0xFF800000 : f32
    %broadcast_in_dim3A_153 = vector.broadcast %jit3A_152 : f32 to vector<256x2048xf32>
    %select_n3A_154 = arith.select %eq3A_151, %broadcast_in_dim3A_153, %select_n3A_146 : vector<256x2048xi1>, vector<256x2048xf32>
    %eq3A_155 = arith.constant 0xFF800000 : f32
    %eq3A_156 = vector.broadcast %eq3A_155 : f32 to vector<256x2048xf32>
    %eq3A_157 = arith.cmpf oeq, %select_n3A_154, %eq3A_156 : vector<256x2048xf32>
    %convert_element_type3A = arith.extui %eq3A_157 : vector<256x2048xi1> to vector<256x2048xi32>
    %reduce_sum3A = arith.constant dense<0> : vector<256xi32>
    %reduce_sum3A_158 = vector.multi_reduction <add>, %convert_element_type3A, %reduce_sum3A [1] : vector<256x2048xi32> to vector<256xi32>
    %reduce_max3A_159 = vector.shape_cast %reduce_sum3A_158 : vector<256xi32> to vector<1x256xi32>
    %reduce_max3A_160 = arith.constant dense<-2147483648> : vector<1xi32>
    %reduce_max3A_161 = vector.multi_reduction <maxsi>, %reduce_max3A_159, %reduce_max3A_160 [1] : vector<1x256xi32> to vector<1xi32>
    %reduce_max3A_162 = vector.shape_cast %reduce_max3A_161 : vector<1xi32> to vector<1x1xi32>
    %reduce_max3A_163 = vector.extract %reduce_max3A_162[0, 0] : i32 from vector<1x1xi32>
    %eq3A_164 = arith.constant 16 : i32
    %eq3A_165 = arith.cmpi eq, %reduce_max3A_163, %eq3A_164 : i32
    %convert_element_type3A_166 = arith.extui %eq3A_165 : i1 to i32
    %cond3A = arith.constant 0xFF800000 : f32
    %cond3A_167 = arith.constant 1073741824 : i32
    %cond3A_168 = arith.constant 0 : i32
    %cond3A_169 = arith.cmpi ne, %convert_element_type3A_166, %cond3A_168 : i32
    scf.if %cond3A_169 {
      %eq3A_176 = vector.broadcast %cond3A : f32 to vector<256x2048xf32>
      %eq3A_177 = arith.cmpf oeq, %select_n3A_154, %eq3A_176 : vector<256x2048xf32>
      %broadcast_in_dim3A_178 = vector.shape_cast %dot_general3A_31 : vector<1x2048xf32> to vector<1x2048xf32>
      %broadcast_in_dim3A_179 = vector.broadcast %broadcast_in_dim3A_178 : vector<1x2048xf32> to vector<256x2048xf32>
      %broadcast_in_dim3A_180 = vector.broadcast %cond3A : f32 to vector<256x2048xf32>
      %select_n3A_181 = arith.select %eq3A_177, %broadcast_in_dim3A_179, %broadcast_in_dim3A_180 : vector<256x2048xi1>, vector<256x2048xf32>
      %reduce_max3A_182 = arith.constant dense<0xFF800000> : vector<256xf32>
      %reduce_max3A_183 = vector.multi_reduction <maximumf>, %select_n3A_181, %reduce_max3A_182 [1] : vector<256x2048xf32> to vector<256xf32>
      %broadcast_in_dim3A_184 = vector.shape_cast %reduce_max3A_183 : vector<256xf32> to vector<256x1xf32>
      %eq3A_185 = vector.broadcast %broadcast_in_dim3A_184 : vector<256x1xf32> to vector<256x2048xf32>
      %eq3A_186 = arith.cmpf oeq, %select_n3A_181, %eq3A_185 : vector<256x2048xf32>
      %broadcast_in_dim3A_187 = vector.broadcast %cond3A_167 : i32 to vector<256x2048xi32>
      %select_n3A_188 = arith.select %eq3A_186, %iota3A, %broadcast_in_dim3A_187 : vector<256x2048xi1>, vector<256x2048xi32>
      %reduce_min3A = arith.constant dense<2147483647> : vector<256xi32>
      %reduce_min3A_189 = vector.multi_reduction <minsi>, %select_n3A_188, %reduce_min3A [1] : vector<256x2048xi32> to vector<256xi32>
      %broadcast_in_dim3A_190 = vector.shape_cast %reduce_min3A_189 : vector<256xi32> to vector<256x1xi32>
      %eq3A_191 = vector.broadcast %broadcast_in_dim3A_190 : vector<256x1xi32> to vector<256x2048xi32>
      %eq3A_192 = arith.cmpi eq, %iota3A, %eq3A_191 : vector<256x2048xi32>
      %broadcast_in_dim3A_193 = vector.broadcast %cond3A : f32 to vector<256x2048xf32>
      %select_n3A_194 = arith.select %eq3A_192, %broadcast_in_dim3A_193, %select_n3A_181 : vector<256x2048xi1>, vector<256x2048xf32>
      %reduce_max3A_195 = arith.constant dense<0xFF800000> : vector<256xf32>
      %reduce_max3A_196 = vector.multi_reduction <maximumf>, %select_n3A_194, %reduce_max3A_195 [1] : vector<256x2048xf32> to vector<256xf32>
      %broadcast_in_dim3A_197 = vector.shape_cast %reduce_max3A_196 : vector<256xf32> to vector<256x1xf32>
      %eq3A_198 = vector.broadcast %broadcast_in_dim3A_197 : vector<256x1xf32> to vector<256x2048xf32>
      %eq3A_199 = arith.cmpf oeq, %select_n3A_194, %eq3A_198 : vector<256x2048xf32>
      %broadcast_in_dim3A_200 = vector.broadcast %cond3A_167 : i32 to vector<256x2048xi32>
      %select_n3A_201 = arith.select %eq3A_199, %iota3A, %broadcast_in_dim3A_200 : vector<256x2048xi1>, vector<256x2048xi32>
      %reduce_min3A_202 = arith.constant dense<2147483647> : vector<256xi32>
      %reduce_min3A_203 = vector.multi_reduction <minsi>, %select_n3A_201, %reduce_min3A_202 [1] : vector<256x2048xi32> to vector<256xi32>
      %broadcast_in_dim3A_204 = vector.shape_cast %reduce_min3A_203 : vector<256xi32> to vector<256x1xi32>
      %eq3A_205 = vector.broadcast %broadcast_in_dim3A_204 : vector<256x1xi32> to vector<256x2048xi32>
      %eq3A_206 = arith.cmpi eq, %iota3A, %eq3A_205 : vector<256x2048xi32>
      %broadcast_in_dim3A_207 = vector.broadcast %cond3A : f32 to vector<256x2048xf32>
      %select_n3A_208 = arith.select %eq3A_206, %broadcast_in_dim3A_207, %select_n3A_194 : vector<256x2048xi1>, vector<256x2048xf32>
      %reduce_max3A_209 = arith.constant dense<0xFF800000> : vector<256xf32>
      %reduce_max3A_210 = vector.multi_reduction <maximumf>, %select_n3A_208, %reduce_max3A_209 [1] : vector<256x2048xf32> to vector<256xf32>
      %broadcast_in_dim3A_211 = vector.shape_cast %reduce_max3A_210 : vector<256xf32> to vector<256x1xf32>
      %eq3A_212 = vector.broadcast %broadcast_in_dim3A_211 : vector<256x1xf32> to vector<256x2048xf32>
      %eq3A_213 = arith.cmpf oeq, %select_n3A_208, %eq3A_212 : vector<256x2048xf32>
      %broadcast_in_dim3A_214 = vector.broadcast %cond3A_167 : i32 to vector<256x2048xi32>
      %select_n3A_215 = arith.select %eq3A_213, %iota3A, %broadcast_in_dim3A_214 : vector<256x2048xi1>, vector<256x2048xi32>
      %reduce_min3A_216 = arith.constant dense<2147483647> : vector<256xi32>
      %reduce_min3A_217 = vector.multi_reduction <minsi>, %select_n3A_215, %reduce_min3A_216 [1] : vector<256x2048xi32> to vector<256xi32>
      %broadcast_in_dim3A_218 = vector.shape_cast %reduce_min3A_217 : vector<256xi32> to vector<256x1xi32>
      %eq3A_219 = vector.broadcast %broadcast_in_dim3A_218 : vector<256x1xi32> to vector<256x2048xi32>
      %eq3A_220 = arith.cmpi eq, %iota3A, %eq3A_219 : vector<256x2048xi32>
      %broadcast_in_dim3A_221 = vector.broadcast %cond3A : f32 to vector<256x2048xf32>
      %select_n3A_222 = arith.select %eq3A_220, %broadcast_in_dim3A_221, %select_n3A_208 : vector<256x2048xi1>, vector<256x2048xf32>
      %reduce_max3A_223 = arith.constant dense<0xFF800000> : vector<256xf32>
      %reduce_max3A_224 = vector.multi_reduction <maximumf>, %select_n3A_222, %reduce_max3A_223 [1] : vector<256x2048xf32> to vector<256xf32>
      %broadcast_in_dim3A_225 = vector.shape_cast %reduce_max3A_224 : vector<256xf32> to vector<256x1xf32>
      %eq3A_226 = vector.broadcast %broadcast_in_dim3A_225 : vector<256x1xf32> to vector<256x2048xf32>
      %eq3A_227 = arith.cmpf oeq, %select_n3A_222, %eq3A_226 : vector<256x2048xf32>
      %broadcast_in_dim3A_228 = vector.broadcast %cond3A_167 : i32 to vector<256x2048xi32>
      %select_n3A_229 = arith.select %eq3A_227, %iota3A, %broadcast_in_dim3A_228 : vector<256x2048xi1>, vector<256x2048xi32>
      %reduce_min3A_230 = arith.constant dense<2147483647> : vector<256xi32>
      %reduce_min3A_231 = vector.multi_reduction <minsi>, %select_n3A_229, %reduce_min3A_230 [1] : vector<256x2048xi32> to vector<256xi32>
      %broadcast_in_dim3A_232 = vector.shape_cast %reduce_min3A_231 : vector<256xi32> to vector<256x1xi32>
      %eq3A_233 = vector.broadcast %broadcast_in_dim3A_232 : vector<256x1xi32> to vector<256x2048xi32>
      %eq3A_234 = arith.cmpi eq, %iota3A, %eq3A_233 : vector<256x2048xi32>
      %broadcast_in_dim3A_235 = vector.broadcast %cond3A : f32 to vector<256x2048xf32>
      %select_n3A_236 = arith.select %eq3A_234, %broadcast_in_dim3A_235, %select_n3A_222 : vector<256x2048xi1>, vector<256x2048xf32>
      %reduce_max3A_237 = arith.constant dense<0xFF800000> : vector<256xf32>
      %reduce_max3A_238 = vector.multi_reduction <maximumf>, %select_n3A_236, %reduce_max3A_237 [1] : vector<256x2048xf32> to vector<256xf32>
      %broadcast_in_dim3A_239 = vector.shape_cast %reduce_max3A_238 : vector<256xf32> to vector<256x1xf32>
      %eq3A_240 = vector.broadcast %broadcast_in_dim3A_239 : vector<256x1xf32> to vector<256x2048xf32>
      %eq3A_241 = arith.cmpf oeq, %select_n3A_236, %eq3A_240 : vector<256x2048xf32>
      %broadcast_in_dim3A_242 = vector.broadcast %cond3A_167 : i32 to vector<256x2048xi32>
      %select_n3A_243 = arith.select %eq3A_241, %iota3A, %broadcast_in_dim3A_242 : vector<256x2048xi1>, vector<256x2048xi32>
      %reduce_min3A_244 = arith.constant dense<2147483647> : vector<256xi32>
      %reduce_min3A_245 = vector.multi_reduction <minsi>, %select_n3A_243, %reduce_min3A_244 [1] : vector<256x2048xi32> to vector<256xi32>
      %broadcast_in_dim3A_246 = vector.shape_cast %reduce_min3A_245 : vector<256xi32> to vector<256x1xi32>
      %eq3A_247 = vector.broadcast %broadcast_in_dim3A_246 : vector<256x1xi32> to vector<256x2048xi32>
      %eq3A_248 = arith.cmpi eq, %iota3A, %eq3A_247 : vector<256x2048xi32>
      %broadcast_in_dim3A_249 = vector.broadcast %cond3A : f32 to vector<256x2048xf32>
      %select_n3A_250 = arith.select %eq3A_248, %broadcast_in_dim3A_249, %select_n3A_236 : vector<256x2048xi1>, vector<256x2048xf32>
      %reduce_max3A_251 = arith.constant dense<0xFF800000> : vector<256xf32>
      %reduce_max3A_252 = vector.multi_reduction <maximumf>, %select_n3A_250, %reduce_max3A_251 [1] : vector<256x2048xf32> to vector<256xf32>
      %broadcast_in_dim3A_253 = vector.shape_cast %reduce_max3A_252 : vector<256xf32> to vector<256x1xf32>
      %eq3A_254 = vector.broadcast %broadcast_in_dim3A_253 : vector<256x1xf32> to vector<256x2048xf32>
      %eq3A_255 = arith.cmpf oeq, %select_n3A_250, %eq3A_254 : vector<256x2048xf32>
      %broadcast_in_dim3A_256 = vector.broadcast %cond3A_167 : i32 to vector<256x2048xi32>
      %select_n3A_257 = arith.select %eq3A_255, %iota3A, %broadcast_in_dim3A_256 : vector<256x2048xi1>, vector<256x2048xi32>
      %reduce_min3A_258 = arith.constant dense<2147483647> : vector<256xi32>
      %reduce_min3A_259 = vector.multi_reduction <minsi>, %select_n3A_257, %reduce_min3A_258 [1] : vector<256x2048xi32> to vector<256xi32>
      %broadcast_in_dim3A_260 = vector.shape_cast %reduce_min3A_259 : vector<256xi32> to vector<256x1xi32>
      %eq3A_261 = vector.broadcast %broadcast_in_dim3A_260 : vector<256x1xi32> to vector<256x2048xi32>
      %eq3A_262 = arith.cmpi eq, %iota3A, %eq3A_261 : vector<256x2048xi32>
      %broadcast_in_dim3A_263 = vector.broadcast %cond3A : f32 to vector<256x2048xf32>
      %select_n3A_264 = arith.select %eq3A_262, %broadcast_in_dim3A_263, %select_n3A_250 : vector<256x2048xi1>, vector<256x2048xf32>
      %reduce_max3A_265 = arith.constant dense<0xFF800000> : vector<256xf32>
      %reduce_max3A_266 = vector.multi_reduction <maximumf>, %select_n3A_264, %reduce_max3A_265 [1] : vector<256x2048xf32> to vector<256xf32>
      %broadcast_in_dim3A_267 = vector.shape_cast %reduce_max3A_266 : vector<256xf32> to vector<256x1xf32>
      %eq3A_268 = vector.broadcast %broadcast_in_dim3A_267 : vector<256x1xf32> to vector<256x2048xf32>
      %eq3A_269 = arith.cmpf oeq, %select_n3A_264, %eq3A_268 : vector<256x2048xf32>
      %broadcast_in_dim3A_270 = vector.broadcast %cond3A_167 : i32 to vector<256x2048xi32>
      %select_n3A_271 = arith.select %eq3A_269, %iota3A, %broadcast_in_dim3A_270 : vector<256x2048xi1>, vector<256x2048xi32>
      %reduce_min3A_272 = arith.constant dense<2147483647> : vector<256xi32>
      %reduce_min3A_273 = vector.multi_reduction <minsi>, %select_n3A_271, %reduce_min3A_272 [1] : vector<256x2048xi32> to vector<256xi32>
      %broadcast_in_dim3A_274 = vector.shape_cast %reduce_min3A_273 : vector<256xi32> to vector<256x1xi32>
      %eq3A_275 = vector.broadcast %broadcast_in_dim3A_274 : vector<256x1xi32> to vector<256x2048xi32>
      %eq3A_276 = arith.cmpi eq, %iota3A, %eq3A_275 : vector<256x2048xi32>
      %broadcast_in_dim3A_277 = vector.broadcast %cond3A : f32 to vector<256x2048xf32>
      %select_n3A_278 = arith.select %eq3A_276, %broadcast_in_dim3A_277, %select_n3A_264 : vector<256x2048xi1>, vector<256x2048xf32>
      %reduce_max3A_279 = arith.constant dense<0xFF800000> : vector<256xf32>
      %reduce_max3A_280 = vector.multi_reduction <maximumf>, %select_n3A_278, %reduce_max3A_279 [1] : vector<256x2048xf32> to vector<256xf32>
      %broadcast_in_dim3A_281 = vector.shape_cast %reduce_max3A_280 : vector<256xf32> to vector<256x1xf32>
      %eq3A_282 = vector.broadcast %broadcast_in_dim3A_281 : vector<256x1xf32> to vector<256x2048xf32>
      %eq3A_283 = arith.cmpf oeq, %select_n3A_278, %eq3A_282 : vector<256x2048xf32>
      %broadcast_in_dim3A_284 = vector.broadcast %cond3A_167 : i32 to vector<256x2048xi32>
      %select_n3A_285 = arith.select %eq3A_283, %iota3A, %broadcast_in_dim3A_284 : vector<256x2048xi1>, vector<256x2048xi32>
      %reduce_min3A_286 = arith.constant dense<2147483647> : vector<256xi32>
      %reduce_min3A_287 = vector.multi_reduction <minsi>, %select_n3A_285, %reduce_min3A_286 [1] : vector<256x2048xi32> to vector<256xi32>
      %broadcast_in_dim3A_288 = vector.shape_cast %reduce_min3A_287 : vector<256xi32> to vector<256x1xi32>
      %concatenate3A = tpu.concatenate %broadcast_in_dim3A_190, %broadcast_in_dim3A_204, %broadcast_in_dim3A_218, %broadcast_in_dim3A_232, %broadcast_in_dim3A_246, %broadcast_in_dim3A_260, %broadcast_in_dim3A_274, %broadcast_in_dim3A_288 in 1 : vector<256x1xi32>, vector<256x1xi32>, vector<256x1xi32>, vector<256x1xi32>, vector<256x1xi32>, vector<256x1xi32>, vector<256x1xi32>, vector<256x1xi32> -> vector<256x8xi32>
      %mul3A_289 = arith.constant 2048 : i32
      %mul3A_290 = arith.muli %arg0, %mul3A_289 : i32
      %add3A = vector.broadcast %mul3A_290 : i32 to vector<256x8xi32>
      %add3A_291 = arith.addi %concatenate3A, %add3A : vector<256x8xi32>
      %swap3A = arith.constant 0 : index
      %swap3A_292 = arith.constant 0 : index
      %swap3A_293 = arith.constant 0 : index
      %swap3A_294 = vector.load %arg7[%swap3A, %swap3A_292, %swap3A_293] : memref<1x256x8xi32, #tpu.memory_space<vmem>>, vector<1x256x8xi32>
      %swap3A_295 = vector.shape_cast %swap3A_294 : vector<1x256x8xi32> to vector<256x8xi32>
      %swap3A_296 = vector.shape_cast %add3A_291 : vector<256x8xi32> to vector<1x256x8xi32>
      tpu.vector_store %arg7[%swap3A, %swap3A_292, %swap3A_293], %swap3A_296 {strides = array<i32>} : memref<1x256x8xi32, #tpu.memory_space<vmem>>, vector<1x256x8xi32>,
    } else {
    }
    %not3A = arith.constant true
    %not3A_170 = arith.xori %eq3A_165, %not3A : i1
    %convert_element_type3A_171 = arith.extui %not3A_170 : i1 to i32
    %cond3A_172 = arith.constant 1073741824 : i32
    %cond3A_173 = arith.constant 0xFF800000 : f32
    %cond3A_174 = arith.constant 0 : i32
    %cond3A_175 = arith.cmpi ne, %convert_element_type3A_171, %cond3A_174 : i32
    scf.if %cond3A_175 {
      %reduce_max3A_176 = arith.constant dense<0xFF800000> : vector<256xf32>
      %reduce_max3A_177 = vector.multi_reduction <maximumf>, %sub3A_26, %reduce_max3A_176 [1] : vector<256x2048xf32> to vector<256xf32>
      %broadcast_in_dim3A_178 = vector.shape_cast %reduce_max3A_177 : vector<256xf32> to vector<256x1xf32>
      %eq3A_179 = vector.broadcast %broadcast_in_dim3A_178 : vector<256x1xf32> to vector<256x2048xf32>
      %eq3A_180 = arith.cmpf oeq, %sub3A_26, %eq3A_179 : vector<256x2048xf32>
      %broadcast_in_dim3A_181 = vector.broadcast %cond3A_172 : i32 to vector<256x2048xi32>
      %select_n3A_182 = arith.select %eq3A_180, %iota3A, %broadcast_in_dim3A_181 : vector<256x2048xi1>, vector<256x2048xi32>
      %reduce_min3A = arith.constant dense<2147483647> : vector<256xi32>
      %reduce_min3A_183 = vector.multi_reduction <minsi>, %select_n3A_182, %reduce_min3A [1] : vector<256x2048xi32> to vector<256xi32>
      %broadcast_in_dim3A_184 = vector.shape_cast %reduce_min3A_183 : vector<256xi32> to vector<256x1xi32>
      %eq3A_185 = vector.broadcast %broadcast_in_dim3A_184 : vector<256x1xi32> to vector<256x2048xi32>
      %eq3A_186 = arith.cmpi eq, %iota3A, %eq3A_185 : vector<256x2048xi32>
      %broadcast_in_dim3A_187 = vector.broadcast %cond3A_173 : f32 to vector<256x2048xf32>
      %select_n3A_188 = arith.select %eq3A_186, %broadcast_in_dim3A_187, %sub3A_26 : vector<256x2048xi1>, vector<256x2048xf32>
      %reduce_max3A_189 = arith.constant dense<0xFF800000> : vector<256xf32>
      %reduce_max3A_190 = vector.multi_reduction <maximumf>, %select_n3A_188, %reduce_max3A_189 [1] : vector<256x2048xf32> to vector<256xf32>
      %broadcast_in_dim3A_191 = vector.shape_cast %reduce_max3A_190 : vector<256xf32> to vector<256x1xf32>
      %eq3A_192 = vector.broadcast %broadcast_in_dim3A_191 : vector<256x1xf32> to vector<256x2048xf32>
      %eq3A_193 = arith.cmpf oeq, %select_n3A_188, %eq3A_192 : vector<256x2048xf32>
      %broadcast_in_dim3A_194 = vector.broadcast %cond3A_172 : i32 to vector<256x2048xi32>
      %select_n3A_195 = arith.select %eq3A_193, %iota3A, %broadcast_in_dim3A_194 : vector<256x2048xi1>, vector<256x2048xi32>
      %reduce_min3A_196 = arith.constant dense<2147483647> : vector<256xi32>
      %reduce_min3A_197 = vector.multi_reduction <minsi>, %select_n3A_195, %reduce_min3A_196 [1] : vector<256x2048xi32> to vector<256xi32>
      %broadcast_in_dim3A_198 = vector.shape_cast %reduce_min3A_197 : vector<256xi32> to vector<256x1xi32>
      %eq3A_199 = vector.broadcast %broadcast_in_dim3A_198 : vector<256x1xi32> to vector<256x2048xi32>
      %eq3A_200 = arith.cmpi eq, %iota3A, %eq3A_199 : vector<256x2048xi32>
      %broadcast_in_dim3A_201 = vector.broadcast %cond3A_173 : f32 to vector<256x2048xf32>
      %select_n3A_202 = arith.select %eq3A_200, %broadcast_in_dim3A_201, %select_n3A_188 : vector<256x2048xi1>, vector<256x2048xf32>
      %reduce_max3A_203 = arith.constant dense<0xFF800000> : vector<256xf32>
      %reduce_max3A_204 = vector.multi_reduction <maximumf>, %select_n3A_202, %reduce_max3A_203 [1] : vector<256x2048xf32> to vector<256xf32>
      %broadcast_in_dim3A_205 = vector.shape_cast %reduce_max3A_204 : vector<256xf32> to vector<256x1xf32>
      %eq3A_206 = vector.broadcast %broadcast_in_dim3A_205 : vector<256x1xf32> to vector<256x2048xf32>
      %eq3A_207 = arith.cmpf oeq, %select_n3A_202, %eq3A_206 : vector<256x2048xf32>
      %broadcast_in_dim3A_208 = vector.broadcast %cond3A_172 : i32 to vector<256x2048xi32>
      %select_n3A_209 = arith.select %eq3A_207, %iota3A, %broadcast_in_dim3A_208 : vector<256x2048xi1>, vector<256x2048xi32>
      %reduce_min3A_210 = arith.constant dense<2147483647> : vector<256xi32>
      %reduce_min3A_211 = vector.multi_reduction <minsi>, %select_n3A_209, %reduce_min3A_210 [1] : vector<256x2048xi32> to vector<256xi32>
      %broadcast_in_dim3A_212 = vector.shape_cast %reduce_min3A_211 : vector<256xi32> to vector<256x1xi32>
      %eq3A_213 = vector.broadcast %broadcast_in_dim3A_212 : vector<256x1xi32> to vector<256x2048xi32>
      %eq3A_214 = arith.cmpi eq, %iota3A, %eq3A_213 : vector<256x2048xi32>
      %broadcast_in_dim3A_215 = vector.broadcast %cond3A_173 : f32 to vector<256x2048xf32>
      %select_n3A_216 = arith.select %eq3A_214, %broadcast_in_dim3A_215, %select_n3A_202 : vector<256x2048xi1>, vector<256x2048xf32>
      %reduce_max3A_217 = arith.constant dense<0xFF800000> : vector<256xf32>
      %reduce_max3A_218 = vector.multi_reduction <maximumf>, %select_n3A_216, %reduce_max3A_217 [1] : vector<256x2048xf32> to vector<256xf32>
      %broadcast_in_dim3A_219 = vector.shape_cast %reduce_max3A_218 : vector<256xf32> to vector<256x1xf32>
      %eq3A_220 = vector.broadcast %broadcast_in_dim3A_219 : vector<256x1xf32> to vector<256x2048xf32>
      %eq3A_221 = arith.cmpf oeq, %select_n3A_216, %eq3A_220 : vector<256x2048xf32>
      %broadcast_in_dim3A_222 = vector.broadcast %cond3A_172 : i32 to vector<256x2048xi32>
      %select_n3A_223 = arith.select %eq3A_221, %iota3A, %broadcast_in_dim3A_222 : vector<256x2048xi1>, vector<256x2048xi32>
      %reduce_min3A_224 = arith.constant dense<2147483647> : vector<256xi32>
      %reduce_min3A_225 = vector.multi_reduction <minsi>, %select_n3A_223, %reduce_min3A_224 [1] : vector<256x2048xi32> to vector<256xi32>
      %broadcast_in_dim3A_226 = vector.shape_cast %reduce_min3A_225 : vector<256xi32> to vector<256x1xi32>
      %eq3A_227 = vector.broadcast %broadcast_in_dim3A_226 : vector<256x1xi32> to vector<256x2048xi32>
      %eq3A_228 = arith.cmpi eq, %iota3A, %eq3A_227 : vector<256x2048xi32>
      %broadcast_in_dim3A_229 = vector.broadcast %cond3A_173 : f32 to vector<256x2048xf32>
      %select_n3A_230 = arith.select %eq3A_228, %broadcast_in_dim3A_229, %select_n3A_216 : vector<256x2048xi1>, vector<256x2048xf32>
      %reduce_max3A_231 = arith.constant dense<0xFF800000> : vector<256xf32>
      %reduce_max3A_232 = vector.multi_reduction <maximumf>, %select_n3A_230, %reduce_max3A_231 [1] : vector<256x2048xf32> to vector<256xf32>
      %broadcast_in_dim3A_233 = vector.shape_cast %reduce_max3A_232 : vector<256xf32> to vector<256x1xf32>
      %eq3A_234 = vector.broadcast %broadcast_in_dim3A_233 : vector<256x1xf32> to vector<256x2048xf32>
      %eq3A_235 = arith.cmpf oeq, %select_n3A_230, %eq3A_234 : vector<256x2048xf32>
      %broadcast_in_dim3A_236 = vector.broadcast %cond3A_172 : i32 to vector<256x2048xi32>
      %select_n3A_237 = arith.select %eq3A_235, %iota3A, %broadcast_in_dim3A_236 : vector<256x2048xi1>, vector<256x2048xi32>
      %reduce_min3A_238 = arith.constant dense<2147483647> : vector<256xi32>
      %reduce_min3A_239 = vector.multi_reduction <minsi>, %select_n3A_237, %reduce_min3A_238 [1] : vector<256x2048xi32> to vector<256xi32>
      %broadcast_in_dim3A_240 = vector.shape_cast %reduce_min3A_239 : vector<256xi32> to vector<256x1xi32>
      %eq3A_241 = vector.broadcast %broadcast_in_dim3A_240 : vector<256x1xi32> to vector<256x2048xi32>
      %eq3A_242 = arith.cmpi eq, %iota3A, %eq3A_241 : vector<256x2048xi32>
      %broadcast_in_dim3A_243 = vector.broadcast %cond3A_173 : f32 to vector<256x2048xf32>
      %select_n3A_244 = arith.select %eq3A_242, %broadcast_in_dim3A_243, %select_n3A_230 : vector<256x2048xi1>, vector<256x2048xf32>
      %reduce_max3A_245 = arith.constant dense<0xFF800000> : vector<256xf32>
      %reduce_max3A_246 = vector.multi_reduction <maximumf>, %select_n3A_244, %reduce_max3A_245 [1] : vector<256x2048xf32> to vector<256xf32>
      %broadcast_in_dim3A_247 = vector.shape_cast %reduce_max3A_246 : vector<256xf32> to vector<256x1xf32>
      %eq3A_248 = vector.broadcast %broadcast_in_dim3A_247 : vector<256x1xf32> to vector<256x2048xf32>
      %eq3A_249 = arith.cmpf oeq, %select_n3A_244, %eq3A_248 : vector<256x2048xf32>
      %broadcast_in_dim3A_250 = vector.broadcast %cond3A_172 : i32 to vector<256x2048xi32>
      %select_n3A_251 = arith.select %eq3A_249, %iota3A, %broadcast_in_dim3A_250 : vector<256x2048xi1>, vector<256x2048xi32>
      %reduce_min3A_252 = arith.constant dense<2147483647> : vector<256xi32>
      %reduce_min3A_253 = vector.multi_reduction <minsi>, %select_n3A_251, %reduce_min3A_252 [1] : vector<256x2048xi32> to vector<256xi32>
      %broadcast_in_dim3A_254 = vector.shape_cast %reduce_min3A_253 : vector<256xi32> to vector<256x1xi32>
      %eq3A_255 = vector.broadcast %broadcast_in_dim3A_254 : vector<256x1xi32> to vector<256x2048xi32>
      %eq3A_256 = arith.cmpi eq, %iota3A, %eq3A_255 : vector<256x2048xi32>
      %broadcast_in_dim3A_257 = vector.broadcast %cond3A_173 : f32 to vector<256x2048xf32>
      %select_n3A_258 = arith.select %eq3A_256, %broadcast_in_dim3A_257, %select_n3A_244 : vector<256x2048xi1>, vector<256x2048xf32>
      %reduce_max3A_259 = arith.constant dense<0xFF800000> : vector<256xf32>
      %reduce_max3A_260 = vector.multi_reduction <maximumf>, %select_n3A_258, %reduce_max3A_259 [1] : vector<256x2048xf32> to vector<256xf32>
      %broadcast_in_dim3A_261 = vector.shape_cast %reduce_max3A_260 : vector<256xf32> to vector<256x1xf32>
      %eq3A_262 = vector.broadcast %broadcast_in_dim3A_261 : vector<256x1xf32> to vector<256x2048xf32>
      %eq3A_263 = arith.cmpf oeq, %select_n3A_258, %eq3A_262 : vector<256x2048xf32>
      %broadcast_in_dim3A_264 = vector.broadcast %cond3A_172 : i32 to vector<256x2048xi32>
      %select_n3A_265 = arith.select %eq3A_263, %iota3A, %broadcast_in_dim3A_264 : vector<256x2048xi1>, vector<256x2048xi32>
      %reduce_min3A_266 = arith.constant dense<2147483647> : vector<256xi32>
      %reduce_min3A_267 = vector.multi_reduction <minsi>, %select_n3A_265, %reduce_min3A_266 [1] : vector<256x2048xi32> to vector<256xi32>
      %broadcast_in_dim3A_268 = vector.shape_cast %reduce_min3A_267 : vector<256xi32> to vector<256x1xi32>
      %eq3A_269 = vector.broadcast %broadcast_in_dim3A_268 : vector<256x1xi32> to vector<256x2048xi32>
      %eq3A_270 = arith.cmpi eq, %iota3A, %eq3A_269 : vector<256x2048xi32>
      %broadcast_in_dim3A_271 = vector.broadcast %cond3A_173 : f32 to vector<256x2048xf32>
      %select_n3A_272 = arith.select %eq3A_270, %broadcast_in_dim3A_271, %select_n3A_258 : vector<256x2048xi1>, vector<256x2048xf32>
      %reduce_max3A_273 = arith.constant dense<0xFF800000> : vector<256xf32>
      %reduce_max3A_274 = vector.multi_reduction <maximumf>, %select_n3A_272, %reduce_max3A_273 [1] : vector<256x2048xf32> to vector<256xf32>
      %broadcast_in_dim3A_275 = vector.shape_cast %reduce_max3A_274 : vector<256xf32> to vector<256x1xf32>
      %eq3A_276 = vector.broadcast %broadcast_in_dim3A_275 : vector<256x1xf32> to vector<256x2048xf32>
      %eq3A_277 = arith.cmpf oeq, %select_n3A_272, %eq3A_276 : vector<256x2048xf32>
      %broadcast_in_dim3A_278 = vector.broadcast %cond3A_172 : i32 to vector<256x2048xi32>
      %select_n3A_279 = arith.select %eq3A_277, %iota3A, %broadcast_in_dim3A_278 : vector<256x2048xi1>, vector<256x2048xi32>
      %reduce_min3A_280 = arith.constant dense<2147483647> : vector<256xi32>
      %reduce_min3A_281 = vector.multi_reduction <minsi>, %select_n3A_279, %reduce_min3A_280 [1] : vector<256x2048xi32> to vector<256xi32>
      %broadcast_in_dim3A_282 = vector.shape_cast %reduce_min3A_281 : vector<256xi32> to vector<256x1xi32>
      %eq3A_283 = vector.broadcast %broadcast_in_dim3A_282 : vector<256x1xi32> to vector<256x2048xi32>
      %eq3A_284 = arith.cmpi eq, %iota3A, %eq3A_283 : vector<256x2048xi32>
      %broadcast_in_dim3A_285 = vector.broadcast %cond3A_173 : f32 to vector<256x2048xf32>
      %select_n3A_286 = arith.select %eq3A_284, %broadcast_in_dim3A_285, %select_n3A_272 : vector<256x2048xi1>, vector<256x2048xf32>
      %reduce_max3A_287 = arith.constant dense<0xFF800000> : vector<256xf32>
      %reduce_max3A_288 = vector.multi_reduction <maximumf>, %select_n3A_286, %reduce_max3A_287 [1] : vector<256x2048xf32> to vector<256xf32>
      %broadcast_in_dim3A_289 = vector.shape_cast %reduce_max3A_288 : vector<256xf32> to vector<256x1xf32>
      %eq3A_290 = vector.broadcast %broadcast_in_dim3A_289 : vector<256x1xf32> to vector<256x2048xf32>
      %eq3A_291 = arith.cmpf oeq, %select_n3A_286, %eq3A_290 : vector<256x2048xf32>
      %broadcast_in_dim3A_292 = vector.broadcast %cond3A_172 : i32 to vector<256x2048xi32>
      %select_n3A_293 = arith.select %eq3A_291, %iota3A, %broadcast_in_dim3A_292 : vector<256x2048xi1>, vector<256x2048xi32>
      %reduce_min3A_294 = arith.constant dense<2147483647> : vector<256xi32>
      %reduce_min3A_295 = vector.multi_reduction <minsi>, %select_n3A_293, %reduce_min3A_294 [1] : vector<256x2048xi32> to vector<256xi32>
      %broadcast_in_dim3A_296 = vector.shape_cast %reduce_min3A_295 : vector<256xi32> to vector<256x1xi32>
      %eq3A_297 = vector.broadcast %broadcast_in_dim3A_296 : vector<256x1xi32> to vector<256x2048xi32>
      %eq3A_298 = arith.cmpi eq, %iota3A, %eq3A_297 : vector<256x2048xi32>
      %broadcast_in_dim3A_299 = vector.broadcast %cond3A_173 : f32 to vector<256x2048xf32>
      %select_n3A_300 = arith.select %eq3A_298, %broadcast_in_dim3A_299, %select_n3A_286 : vector<256x2048xi1>, vector<256x2048xf32>
      %reduce_max3A_301 = arith.constant dense<0xFF800000> : vector<256xf32>
      %reduce_max3A_302 = vector.multi_reduction <maximumf>, %select_n3A_300, %reduce_max3A_301 [1] : vector<256x2048xf32> to vector<256xf32>
      %broadcast_in_dim3A_303 = vector.shape_cast %reduce_max3A_302 : vector<256xf32> to vector<256x1xf32>
      %eq3A_304 = vector.broadcast %broadcast_in_dim3A_303 : vector<256x1xf32> to vector<256x2048xf32>
      %eq3A_305 = arith.cmpf oeq, %select_n3A_300, %eq3A_304 : vector<256x2048xf32>
      %broadcast_in_dim3A_306 = vector.broadcast %cond3A_172 : i32 to vector<256x2048xi32>
      %select_n3A_307 = arith.select %eq3A_305, %iota3A, %broadcast_in_dim3A_306 : vector<256x2048xi1>, vector<256x2048xi32>
      %reduce_min3A_308 = arith.constant dense<2147483647> : vector<256xi32>
      %reduce_min3A_309 = vector.multi_reduction <minsi>, %select_n3A_307, %reduce_min3A_308 [1] : vector<256x2048xi32> to vector<256xi32>
      %broadcast_in_dim3A_310 = vector.shape_cast %reduce_min3A_309 : vector<256xi32> to vector<256x1xi32>
      %eq3A_311 = vector.broadcast %broadcast_in_dim3A_310 : vector<256x1xi32> to vector<256x2048xi32>
      %eq3A_312 = arith.cmpi eq, %iota3A, %eq3A_311 : vector<256x2048xi32>
      %broadcast_in_dim3A_313 = vector.broadcast %cond3A_173 : f32 to vector<256x2048xf32>
      %select_n3A_314 = arith.select %eq3A_312, %broadcast_in_dim3A_313, %select_n3A_300 : vector<256x2048xi1>, vector<256x2048xf32>
      %reduce_max3A_315 = arith.constant dense<0xFF800000> : vector<256xf32>
      %reduce_max3A_316 = vector.multi_reduction <maximumf>, %select_n3A_314, %reduce_max3A_315 [1] : vector<256x2048xf32> to vector<256xf32>
      %broadcast_in_dim3A_317 = vector.shape_cast %reduce_max3A_316 : vector<256xf32> to vector<256x1xf32>
      %eq3A_318 = vector.broadcast %broadcast_in_dim3A_317 : vector<256x1xf32> to vector<256x2048xf32>
      %eq3A_319 = arith.cmpf oeq, %select_n3A_314, %eq3A_318 : vector<256x2048xf32>
      %broadcast_in_dim3A_320 = vector.broadcast %cond3A_172 : i32 to vector<256x2048xi32>
      %select_n3A_321 = arith.select %eq3A_319, %iota3A, %broadcast_in_dim3A_320 : vector<256x2048xi1>, vector<256x2048xi32>
      %reduce_min3A_322 = arith.constant dense<2147483647> : vector<256xi32>
      %reduce_min3A_323 = vector.multi_reduction <minsi>, %select_n3A_321, %reduce_min3A_322 [1] : vector<256x2048xi32> to vector<256xi32>
      %broadcast_in_dim3A_324 = vector.shape_cast %reduce_min3A_323 : vector<256xi32> to vector<256x1xi32>
      %eq3A_325 = vector.broadcast %broadcast_in_dim3A_324 : vector<256x1xi32> to vector<256x2048xi32>
      %eq3A_326 = arith.cmpi eq, %iota3A, %eq3A_325 : vector<256x2048xi32>
      %broadcast_in_dim3A_327 = vector.broadcast %cond3A_173 : f32 to vector<256x2048xf32>
      %select_n3A_328 = arith.select %eq3A_326, %broadcast_in_dim3A_327, %select_n3A_314 : vector<256x2048xi1>, vector<256x2048xf32>
      %reduce_max3A_329 = arith.constant dense<0xFF800000> : vector<256xf32>
      %reduce_max3A_330 = vector.multi_reduction <maximumf>, %select_n3A_328, %reduce_max3A_329 [1] : vector<256x2048xf32> to vector<256xf32>
      %broadcast_in_dim3A_331 = vector.shape_cast %reduce_max3A_330 : vector<256xf32> to vector<256x1xf32>
      %eq3A_332 = vector.broadcast %broadcast_in_dim3A_331 : vector<256x1xf32> to vector<256x2048xf32>
      %eq3A_333 = arith.cmpf oeq, %select_n3A_328, %eq3A_332 : vector<256x2048xf32>
      %broadcast_in_dim3A_334 = vector.broadcast %cond3A_172 : i32 to vector<256x2048xi32>
      %select_n3A_335 = arith.select %eq3A_333, %iota3A, %broadcast_in_dim3A_334 : vector<256x2048xi1>, vector<256x2048xi32>
      %reduce_min3A_336 = arith.constant dense<2147483647> : vector<256xi32>
      %reduce_min3A_337 = vector.multi_reduction <minsi>, %select_n3A_335, %reduce_min3A_336 [1] : vector<256x2048xi32> to vector<256xi32>
      %broadcast_in_dim3A_338 = vector.shape_cast %reduce_min3A_337 : vector<256xi32> to vector<256x1xi32>
      %eq3A_339 = vector.broadcast %broadcast_in_dim3A_338 : vector<256x1xi32> to vector<256x2048xi32>
      %eq3A_340 = arith.cmpi eq, %iota3A, %eq3A_339 : vector<256x2048xi32>
      %broadcast_in_dim3A_341 = vector.broadcast %cond3A_173 : f32 to vector<256x2048xf32>
      %select_n3A_342 = arith.select %eq3A_340, %broadcast_in_dim3A_341, %select_n3A_328 : vector<256x2048xi1>, vector<256x2048xf32>
      %reduce_max3A_343 = arith.constant dense<0xFF800000> : vector<256xf32>
      %reduce_max3A_344 = vector.multi_reduction <maximumf>, %select_n3A_342, %reduce_max3A_343 [1] : vector<256x2048xf32> to vector<256xf32>
      %broadcast_in_dim3A_345 = vector.shape_cast %reduce_max3A_344 : vector<256xf32> to vector<256x1xf32>
      %eq3A_346 = vector.broadcast %broadcast_in_dim3A_345 : vector<256x1xf32> to vector<256x2048xf32>
      %eq3A_347 = arith.cmpf oeq, %select_n3A_342, %eq3A_346 : vector<256x2048xf32>
      %broadcast_in_dim3A_348 = vector.broadcast %cond3A_172 : i32 to vector<256x2048xi32>
      %select_n3A_349 = arith.select %eq3A_347, %iota3A, %broadcast_in_dim3A_348 : vector<256x2048xi1>, vector<256x2048xi32>
      %reduce_min3A_350 = arith.constant dense<2147483647> : vector<256xi32>
      %reduce_min3A_351 = vector.multi_reduction <minsi>, %select_n3A_349, %reduce_min3A_350 [1] : vector<256x2048xi32> to vector<256xi32>
      %broadcast_in_dim3A_352 = vector.shape_cast %reduce_min3A_351 : vector<256xi32> to vector<256x1xi32>
      %eq3A_353 = vector.broadcast %broadcast_in_dim3A_352 : vector<256x1xi32> to vector<256x2048xi32>
      %eq3A_354 = arith.cmpi eq, %iota3A, %eq3A_353 : vector<256x2048xi32>
      %broadcast_in_dim3A_355 = vector.broadcast %cond3A_173 : f32 to vector<256x2048xf32>
      %select_n3A_356 = arith.select %eq3A_354, %broadcast_in_dim3A_355, %select_n3A_342 : vector<256x2048xi1>, vector<256x2048xf32>
      %reduce_max3A_357 = arith.constant dense<0xFF800000> : vector<256xf32>
      %reduce_max3A_358 = vector.multi_reduction <maximumf>, %select_n3A_356, %reduce_max3A_357 [1] : vector<256x2048xf32> to vector<256xf32>
      %broadcast_in_dim3A_359 = vector.shape_cast %reduce_max3A_358 : vector<256xf32> to vector<256x1xf32>
      %eq3A_360 = vector.broadcast %broadcast_in_dim3A_359 : vector<256x1xf32> to vector<256x2048xf32>
      %eq3A_361 = arith.cmpf oeq, %select_n3A_356, %eq3A_360 : vector<256x2048xf32>
      %broadcast_in_dim3A_362 = vector.broadcast %cond3A_172 : i32 to vector<256x2048xi32>
      %select_n3A_363 = arith.select %eq3A_361, %iota3A, %broadcast_in_dim3A_362 : vector<256x2048xi1>, vector<256x2048xi32>
      %reduce_min3A_364 = arith.constant dense<2147483647> : vector<256xi32>
      %reduce_min3A_365 = vector.multi_reduction <minsi>, %select_n3A_363, %reduce_min3A_364 [1] : vector<256x2048xi32> to vector<256xi32>
      %broadcast_in_dim3A_366 = vector.shape_cast %reduce_min3A_365 : vector<256xi32> to vector<256x1xi32>
      %eq3A_367 = vector.broadcast %broadcast_in_dim3A_366 : vector<256x1xi32> to vector<256x2048xi32>
      %eq3A_368 = arith.cmpi eq, %iota3A, %eq3A_367 : vector<256x2048xi32>
      %broadcast_in_dim3A_369 = vector.broadcast %cond3A_173 : f32 to vector<256x2048xf32>
      %select_n3A_370 = arith.select %eq3A_368, %broadcast_in_dim3A_369, %select_n3A_356 : vector<256x2048xi1>, vector<256x2048xf32>
      %reduce_max3A_371 = arith.constant dense<0xFF800000> : vector<256xf32>
      %reduce_max3A_372 = vector.multi_reduction <maximumf>, %select_n3A_370, %reduce_max3A_371 [1] : vector<256x2048xf32> to vector<256xf32>
      %broadcast_in_dim3A_373 = vector.shape_cast %reduce_max3A_372 : vector<256xf32> to vector<256x1xf32>
      %eq3A_374 = vector.broadcast %broadcast_in_dim3A_373 : vector<256x1xf32> to vector<256x2048xf32>
      %eq3A_375 = arith.cmpf oeq, %select_n3A_370, %eq3A_374 : vector<256x2048xf32>
      %broadcast_in_dim3A_376 = vector.broadcast %cond3A_172 : i32 to vector<256x2048xi32>
      %select_n3A_377 = arith.select %eq3A_375, %iota3A, %broadcast_in_dim3A_376 : vector<256x2048xi1>, vector<256x2048xi32>
      %reduce_min3A_378 = arith.constant dense<2147483647> : vector<256xi32>
      %reduce_min3A_379 = vector.multi_reduction <minsi>, %select_n3A_377, %reduce_min3A_378 [1] : vector<256x2048xi32> to vector<256xi32>
      %broadcast_in_dim3A_380 = vector.shape_cast %reduce_min3A_379 : vector<256xi32> to vector<256x1xi32>
      %eq3A_381 = vector.broadcast %broadcast_in_dim3A_380 : vector<256x1xi32> to vector<256x2048xi32>
      %eq3A_382 = arith.cmpi eq, %iota3A, %eq3A_381 : vector<256x2048xi32>
      %broadcast_in_dim3A_383 = vector.broadcast %cond3A_173 : f32 to vector<256x2048xf32>
      %select_n3A_384 = arith.select %eq3A_382, %broadcast_in_dim3A_383, %select_n3A_370 : vector<256x2048xi1>, vector<256x2048xf32>
      %reduce_max3A_385 = arith.constant dense<0xFF800000> : vector<256xf32>
      %reduce_max3A_386 = vector.multi_reduction <maximumf>, %select_n3A_384, %reduce_max3A_385 [1] : vector<256x2048xf32> to vector<256xf32>
      %broadcast_in_dim3A_387 = vector.shape_cast %reduce_max3A_386 : vector<256xf32> to vector<256x1xf32>
      %eq3A_388 = vector.broadcast %broadcast_in_dim3A_387 : vector<256x1xf32> to vector<256x2048xf32>
      %eq3A_389 = arith.cmpf oeq, %select_n3A_384, %eq3A_388 : vector<256x2048xf32>
      %broadcast_in_dim3A_390 = vector.broadcast %cond3A_172 : i32 to vector<256x2048xi32>
      %select_n3A_391 = arith.select %eq3A_389, %iota3A, %broadcast_in_dim3A_390 : vector<256x2048xi1>, vector<256x2048xi32>
      %reduce_min3A_392 = arith.constant dense<2147483647> : vector<256xi32>
      %reduce_min3A_393 = vector.multi_reduction <minsi>, %select_n3A_391, %reduce_min3A_392 [1] : vector<256x2048xi32> to vector<256xi32>
      %broadcast_in_dim3A_394 = vector.shape_cast %reduce_min3A_393 : vector<256xi32> to vector<256x1xi32>
      %eq3A_395 = vector.broadcast %broadcast_in_dim3A_394 : vector<256x1xi32> to vector<256x2048xi32>
      %eq3A_396 = arith.cmpi eq, %iota3A, %eq3A_395 : vector<256x2048xi32>
      %broadcast_in_dim3A_397 = vector.broadcast %cond3A_173 : f32 to vector<256x2048xf32>
      %select_n3A_398 = arith.select %eq3A_396, %broadcast_in_dim3A_397, %select_n3A_384 : vector<256x2048xi1>, vector<256x2048xf32>
      %eq3A_399 = vector.broadcast %cond3A_173 : f32 to vector<256x2048xf32>
      %eq3A_400 = arith.cmpf oeq, %select_n3A_398, %eq3A_399 : vector<256x2048xf32>
      %broadcast_in_dim3A_401 = vector.shape_cast %dot_general3A_31 : vector<1x2048xf32> to vector<1x2048xf32>
      %broadcast_in_dim3A_402 = vector.broadcast %broadcast_in_dim3A_401 : vector<1x2048xf32> to vector<256x2048xf32>
      %broadcast_in_dim3A_403 = vector.broadcast %cond3A_173 : f32 to vector<256x2048xf32>
      %select_n3A_404 = arith.select %eq3A_400, %broadcast_in_dim3A_402, %broadcast_in_dim3A_403 : vector<256x2048xi1>, vector<256x2048xf32>
      %reduce_max3A_405 = arith.constant dense<0xFF800000> : vector<256xf32>
      %reduce_max3A_406 = vector.multi_reduction <maximumf>, %select_n3A_404, %reduce_max3A_405 [1] : vector<256x2048xf32> to vector<256xf32>
      %broadcast_in_dim3A_407 = vector.shape_cast %reduce_max3A_406 : vector<256xf32> to vector<256x1xf32>
      %eq3A_408 = vector.broadcast %broadcast_in_dim3A_407 : vector<256x1xf32> to vector<256x2048xf32>
      %eq3A_409 = arith.cmpf oeq, %select_n3A_404, %eq3A_408 : vector<256x2048xf32>
      %broadcast_in_dim3A_410 = vector.broadcast %cond3A_172 : i32 to vector<256x2048xi32>
      %select_n3A_411 = arith.select %eq3A_409, %iota3A, %broadcast_in_dim3A_410 : vector<256x2048xi1>, vector<256x2048xi32>
      %reduce_min3A_412 = arith.constant dense<2147483647> : vector<256xi32>
      %reduce_min3A_413 = vector.multi_reduction <minsi>, %select_n3A_411, %reduce_min3A_412 [1] : vector<256x2048xi32> to vector<256xi32>
      %broadcast_in_dim3A_414 = vector.shape_cast %reduce_min3A_413 : vector<256xi32> to vector<256x1xi32>
      %eq3A_415 = vector.broadcast %broadcast_in_dim3A_414 : vector<256x1xi32> to vector<256x2048xi32>
      %eq3A_416 = arith.cmpi eq, %iota3A, %eq3A_415 : vector<256x2048xi32>
      %broadcast_in_dim3A_417 = vector.broadcast %cond3A_173 : f32 to vector<256x2048xf32>
      %select_n3A_418 = arith.select %eq3A_416, %broadcast_in_dim3A_417, %select_n3A_404 : vector<256x2048xi1>, vector<256x2048xf32>
      %reduce_max3A_419 = arith.constant dense<0xFF800000> : vector<256xf32>
      %reduce_max3A_420 = vector.multi_reduction <maximumf>, %select_n3A_418, %reduce_max3A_419 [1] : vector<256x2048xf32> to vector<256xf32>
      %broadcast_in_dim3A_421 = vector.shape_cast %reduce_max3A_420 : vector<256xf32> to vector<256x1xf32>
      %eq3A_422 = vector.broadcast %broadcast_in_dim3A_421 : vector<256x1xf32> to vector<256x2048xf32>
      %eq3A_423 = arith.cmpf oeq, %select_n3A_418, %eq3A_422 : vector<256x2048xf32>
      %broadcast_in_dim3A_424 = vector.broadcast %cond3A_172 : i32 to vector<256x2048xi32>
      %select_n3A_425 = arith.select %eq3A_423, %iota3A, %broadcast_in_dim3A_424 : vector<256x2048xi1>, vector<256x2048xi32>
      %reduce_min3A_426 = arith.constant dense<2147483647> : vector<256xi32>
      %reduce_min3A_427 = vector.multi_reduction <minsi>, %select_n3A_425, %reduce_min3A_426 [1] : vector<256x2048xi32> to vector<256xi32>
      %broadcast_in_dim3A_428 = vector.shape_cast %reduce_min3A_427 : vector<256xi32> to vector<256x1xi32>
      %eq3A_429 = vector.broadcast %broadcast_in_dim3A_428 : vector<256x1xi32> to vector<256x2048xi32>
      %eq3A_430 = arith.cmpi eq, %iota3A, %eq3A_429 : vector<256x2048xi32>
      %broadcast_in_dim3A_431 = vector.broadcast %cond3A_173 : f32 to vector<256x2048xf32>
      %select_n3A_432 = arith.select %eq3A_430, %broadcast_in_dim3A_431, %select_n3A_418 : vector<256x2048xi1>, vector<256x2048xf32>
      %reduce_max3A_433 = arith.constant dense<0xFF800000> : vector<256xf32>
      %reduce_max3A_434 = vector.multi_reduction <maximumf>, %select_n3A_432, %reduce_max3A_433 [1] : vector<256x2048xf32> to vector<256xf32>
      %broadcast_in_dim3A_435 = vector.shape_cast %reduce_max3A_434 : vector<256xf32> to vector<256x1xf32>
      %eq3A_436 = vector.broadcast %broadcast_in_dim3A_435 : vector<256x1xf32> to vector<256x2048xf32>
      %eq3A_437 = arith.cmpf oeq, %select_n3A_432, %eq3A_436 : vector<256x2048xf32>
      %broadcast_in_dim3A_438 = vector.broadcast %cond3A_172 : i32 to vector<256x2048xi32>
      %select_n3A_439 = arith.select %eq3A_437, %iota3A, %broadcast_in_dim3A_438 : vector<256x2048xi1>, vector<256x2048xi32>
      %reduce_min3A_440 = arith.constant dense<2147483647> : vector<256xi32>
      %reduce_min3A_441 = vector.multi_reduction <minsi>, %select_n3A_439, %reduce_min3A_440 [1] : vector<256x2048xi32> to vector<256xi32>
      %broadcast_in_dim3A_442 = vector.shape_cast %reduce_min3A_441 : vector<256xi32> to vector<256x1xi32>
      %eq3A_443 = vector.broadcast %broadcast_in_dim3A_442 : vector<256x1xi32> to vector<256x2048xi32>
      %eq3A_444 = arith.cmpi eq, %iota3A, %eq3A_443 : vector<256x2048xi32>
      %broadcast_in_dim3A_445 = vector.broadcast %cond3A_173 : f32 to vector<256x2048xf32>
      %select_n3A_446 = arith.select %eq3A_444, %broadcast_in_dim3A_445, %select_n3A_432 : vector<256x2048xi1>, vector<256x2048xf32>
      %reduce_max3A_447 = arith.constant dense<0xFF800000> : vector<256xf32>
      %reduce_max3A_448 = vector.multi_reduction <maximumf>, %select_n3A_446, %reduce_max3A_447 [1] : vector<256x2048xf32> to vector<256xf32>
      %broadcast_in_dim3A_449 = vector.shape_cast %reduce_max3A_448 : vector<256xf32> to vector<256x1xf32>
      %eq3A_450 = vector.broadcast %broadcast_in_dim3A_449 : vector<256x1xf32> to vector<256x2048xf32>
      %eq3A_451 = arith.cmpf oeq, %select_n3A_446, %eq3A_450 : vector<256x2048xf32>
      %broadcast_in_dim3A_452 = vector.broadcast %cond3A_172 : i32 to vector<256x2048xi32>
      %select_n3A_453 = arith.select %eq3A_451, %iota3A, %broadcast_in_dim3A_452 : vector<256x2048xi1>, vector<256x2048xi32>
      %reduce_min3A_454 = arith.constant dense<2147483647> : vector<256xi32>
      %reduce_min3A_455 = vector.multi_reduction <minsi>, %select_n3A_453, %reduce_min3A_454 [1] : vector<256x2048xi32> to vector<256xi32>
      %broadcast_in_dim3A_456 = vector.shape_cast %reduce_min3A_455 : vector<256xi32> to vector<256x1xi32>
      %eq3A_457 = vector.broadcast %broadcast_in_dim3A_456 : vector<256x1xi32> to vector<256x2048xi32>
      %eq3A_458 = arith.cmpi eq, %iota3A, %eq3A_457 : vector<256x2048xi32>
      %broadcast_in_dim3A_459 = vector.broadcast %cond3A_173 : f32 to vector<256x2048xf32>
      %select_n3A_460 = arith.select %eq3A_458, %broadcast_in_dim3A_459, %select_n3A_446 : vector<256x2048xi1>, vector<256x2048xf32>
      %reduce_max3A_461 = arith.constant dense<0xFF800000> : vector<256xf32>
      %reduce_max3A_462 = vector.multi_reduction <maximumf>, %select_n3A_460, %reduce_max3A_461 [1] : vector<256x2048xf32> to vector<256xf32>
      %broadcast_in_dim3A_463 = vector.shape_cast %reduce_max3A_462 : vector<256xf32> to vector<256x1xf32>
      %eq3A_464 = vector.broadcast %broadcast_in_dim3A_463 : vector<256x1xf32> to vector<256x2048xf32>
      %eq3A_465 = arith.cmpf oeq, %select_n3A_460, %eq3A_464 : vector<256x2048xf32>
      %broadcast_in_dim3A_466 = vector.broadcast %cond3A_172 : i32 to vector<256x2048xi32>
      %select_n3A_467 = arith.select %eq3A_465, %iota3A, %broadcast_in_dim3A_466 : vector<256x2048xi1>, vector<256x2048xi32>
      %reduce_min3A_468 = arith.constant dense<2147483647> : vector<256xi32>
      %reduce_min3A_469 = vector.multi_reduction <minsi>, %select_n3A_467, %reduce_min3A_468 [1] : vector<256x2048xi32> to vector<256xi32>
      %broadcast_in_dim3A_470 = vector.shape_cast %reduce_min3A_469 : vector<256xi32> to vector<256x1xi32>
      %eq3A_471 = vector.broadcast %broadcast_in_dim3A_470 : vector<256x1xi32> to vector<256x2048xi32>
      %eq3A_472 = arith.cmpi eq, %iota3A, %eq3A_471 : vector<256x2048xi32>
      %broadcast_in_dim3A_473 = vector.broadcast %cond3A_173 : f32 to vector<256x2048xf32>
      %select_n3A_474 = arith.select %eq3A_472, %broadcast_in_dim3A_473, %select_n3A_460 : vector<256x2048xi1>, vector<256x2048xf32>
      %reduce_max3A_475 = arith.constant dense<0xFF800000> : vector<256xf32>
      %reduce_max3A_476 = vector.multi_reduction <maximumf>, %select_n3A_474, %reduce_max3A_475 [1] : vector<256x2048xf32> to vector<256xf32>
      %broadcast_in_dim3A_477 = vector.shape_cast %reduce_max3A_476 : vector<256xf32> to vector<256x1xf32>
      %eq3A_478 = vector.broadcast %broadcast_in_dim3A_477 : vector<256x1xf32> to vector<256x2048xf32>
      %eq3A_479 = arith.cmpf oeq, %select_n3A_474, %eq3A_478 : vector<256x2048xf32>
      %broadcast_in_dim3A_480 = vector.broadcast %cond3A_172 : i32 to vector<256x2048xi32>
      %select_n3A_481 = arith.select %eq3A_479, %iota3A, %broadcast_in_dim3A_480 : vector<256x2048xi1>, vector<256x2048xi32>
      %reduce_min3A_482 = arith.constant dense<2147483647> : vector<256xi32>
      %reduce_min3A_483 = vector.multi_reduction <minsi>, %select_n3A_481, %reduce_min3A_482 [1] : vector<256x2048xi32> to vector<256xi32>
      %broadcast_in_dim3A_484 = vector.shape_cast %reduce_min3A_483 : vector<256xi32> to vector<256x1xi32>
      %eq3A_485 = vector.broadcast %broadcast_in_dim3A_484 : vector<256x1xi32> to vector<256x2048xi32>
      %eq3A_486 = arith.cmpi eq, %iota3A, %eq3A_485 : vector<256x2048xi32>
      %broadcast_in_dim3A_487 = vector.broadcast %cond3A_173 : f32 to vector<256x2048xf32>
      %select_n3A_488 = arith.select %eq3A_486, %broadcast_in_dim3A_487, %select_n3A_474 : vector<256x2048xi1>, vector<256x2048xf32>
      %reduce_max3A_489 = arith.constant dense<0xFF800000> : vector<256xf32>
      %reduce_max3A_490 = vector.multi_reduction <maximumf>, %select_n3A_488, %reduce_max3A_489 [1] : vector<256x2048xf32> to vector<256xf32>
      %broadcast_in_dim3A_491 = vector.shape_cast %reduce_max3A_490 : vector<256xf32> to vector<256x1xf32>
      %eq3A_492 = vector.broadcast %broadcast_in_dim3A_491 : vector<256x1xf32> to vector<256x2048xf32>
      %eq3A_493 = arith.cmpf oeq, %select_n3A_488, %eq3A_492 : vector<256x2048xf32>
      %broadcast_in_dim3A_494 = vector.broadcast %cond3A_172 : i32 to vector<256x2048xi32>
      %select_n3A_495 = arith.select %eq3A_493, %iota3A, %broadcast_in_dim3A_494 : vector<256x2048xi1>, vector<256x2048xi32>
      %reduce_min3A_496 = arith.constant dense<2147483647> : vector<256xi32>
      %reduce_min3A_497 = vector.multi_reduction <minsi>, %select_n3A_495, %reduce_min3A_496 [1] : vector<256x2048xi32> to vector<256xi32>
      %broadcast_in_dim3A_498 = vector.shape_cast %reduce_min3A_497 : vector<256xi32> to vector<256x1xi32>
      %eq3A_499 = vector.broadcast %broadcast_in_dim3A_498 : vector<256x1xi32> to vector<256x2048xi32>
      %eq3A_500 = arith.cmpi eq, %iota3A, %eq3A_499 : vector<256x2048xi32>
      %broadcast_in_dim3A_501 = vector.broadcast %cond3A_173 : f32 to vector<256x2048xf32>
      %select_n3A_502 = arith.select %eq3A_500, %broadcast_in_dim3A_501, %select_n3A_488 : vector<256x2048xi1>, vector<256x2048xf32>
      %reduce_max3A_503 = arith.constant dense<0xFF800000> : vector<256xf32>
      %reduce_max3A_504 = vector.multi_reduction <maximumf>, %select_n3A_502, %reduce_max3A_503 [1] : vector<256x2048xf32> to vector<256xf32>
      %broadcast_in_dim3A_505 = vector.shape_cast %reduce_max3A_504 : vector<256xf32> to vector<256x1xf32>
      %eq3A_506 = vector.broadcast %broadcast_in_dim3A_505 : vector<256x1xf32> to vector<256x2048xf32>
      %eq3A_507 = arith.cmpf oeq, %select_n3A_502, %eq3A_506 : vector<256x2048xf32>
      %broadcast_in_dim3A_508 = vector.broadcast %cond3A_172 : i32 to vector<256x2048xi32>
      %select_n3A_509 = arith.select %eq3A_507, %iota3A, %broadcast_in_dim3A_508 : vector<256x2048xi1>, vector<256x2048xi32>
      %reduce_min3A_510 = arith.constant dense<2147483647> : vector<256xi32>
      %reduce_min3A_511 = vector.multi_reduction <minsi>, %select_n3A_509, %reduce_min3A_510 [1] : vector<256x2048xi32> to vector<256xi32>
      %broadcast_in_dim3A_512 = vector.shape_cast %reduce_min3A_511 : vector<256xi32> to vector<256x1xi32>
      %concatenate3A = tpu.concatenate %broadcast_in_dim3A_414, %broadcast_in_dim3A_428, %broadcast_in_dim3A_442, %broadcast_in_dim3A_456, %broadcast_in_dim3A_470, %broadcast_in_dim3A_484, %broadcast_in_dim3A_498, %broadcast_in_dim3A_512 in 1 : vector<256x1xi32>, vector<256x1xi32>, vector<256x1xi32>, vector<256x1xi32>, vector<256x1xi32>, vector<256x1xi32>, vector<256x1xi32>, vector<256x1xi32> -> vector<256x8xi32>
      %mul3A_513 = arith.constant 2048 : i32
      %mul3A_514 = arith.muli %arg0, %mul3A_513 : i32
      %add3A = vector.broadcast %mul3A_514 : i32 to vector<256x8xi32>
      %add3A_515 = arith.addi %concatenate3A, %add3A : vector<256x8xi32>
      %swap3A = arith.constant 0 : index
      %swap3A_516 = arith.constant 0 : index
      %swap3A_517 = arith.constant 0 : index
      %swap3A_518 = vector.load %arg7[%swap3A, %swap3A_516, %swap3A_517] : memref<1x256x8xi32, #tpu.memory_space<vmem>>, vector<1x256x8xi32>
      %swap3A_519 = vector.shape_cast %swap3A_518 : vector<1x256x8xi32> to vector<256x8xi32>
      %swap3A_520 = vector.shape_cast %add3A_515 : vector<256x8xi32> to vector<1x256x8xi32>
      tpu.vector_store %arg7[%swap3A, %swap3A_516, %swap3A_517], %swap3A_520 {strides = array<i32>} : memref<1x256x8xi32, #tpu.memory_space<vmem>>, vector<1x256x8xi32>,
    } else {
    }
    return
  }
  func.func @transform_0(%arg0: i32, %arg1: i32) -> (i32, i32, i32) {
    %c0_i32 = arith.constant 0 : i32
    %c0_i32_0 = arith.constant 0 : i32
    return %arg0, %arg1, %c0_i32 : i32, i32, i32
  }
  func.func @transform_1(%arg0: i32, %arg1: i32) -> (i32, i32, i32) {
    %c0_i32 = arith.constant 0 : i32
    %c0_i32_0 = arith.constant 0 : i32
    %c0_i32_1 = arith.constant 0 : i32
    return %arg0, %c0_i32, %c0_i32_0 : i32, i32, i32
  }
  func.func @transform_2(%arg0: i32, %arg1: i32) -> (i32, i32) {
    %c0_i32 = arith.constant 0 : i32
    %c0_i32_0 = arith.constant 0 : i32
    %c0_i32_1 = arith.constant 0 : i32
    return %c0_i32, %c0_i32_0 : i32, i32
  }
  func.func @transform_3(%arg0: i32, %arg1: i32) -> (i32, i32, i32) {
    %c0_i32 = arith.constant 0 : i32
    %c0_i32_0 = arith.constant 0 : i32
    %c0_i32_1 = arith.constant 0 : i32
    return %arg0, %c0_i32, %c0_i32_0 : i32, i32, i32
  }
  func.func @transform_4(%arg0: i32, %arg1: i32) -> (i32, i32, i32) {
    %c0_i32 = arith.constant 0 : i32
    %c0_i32_0 = arith.constant 0 : i32
    return %arg0, %arg1, %c0_i32 : i32, i32, i32
  }
  func.func @transform_5(%arg0: i32, %arg1: i32) -> (i32, i32, i32) {
    %c0_i32 = arith.constant 0 : i32
    %c0_i32_0 = arith.constant 0 : i32
    return %arg0, %arg1, %c0_i32 : i32, i32, i32
  }
}

module attributes {stable_mosaic.version = 14 : i64} {
  func.func @_score_body(%arg0: i32, %arg1: i32, %arg2: memref<8x1x512x128xf32, #tpu.memory_space<vmem>>, %arg3: memref<1x512x128xf32, #tpu.memory_space<vmem>>, %arg4: memref<256x1xf32, #tpu.memory_space<vmem>>, %arg5: memref<1x1xf32, #tpu.memory_space<vmem>>, %arg6: memref<1x512x1xf32, #tpu.memory_space<vmem>>) attributes {dimension_semantics = [#tpu.dimension_semantics<arbitrary>, #tpu.dimension_semantics<arbitrary>], iteration_bounds = array<i64: 4, 4>, scalar_prefetch = 0 : i64, scratch_operands = 0 : i64, tpu.core_type = #tpu.core_type<tc>, window_params = [{transform_indices = @transform_0, window_bounds = array<i64: 8, 1, 512, 128>}, {transform_indices = @transform_1, window_bounds = array<i64: 1, 512, 128>}, {pipeline_mode = #tpu.pipeline_mode<synchronous>, transform_indices = @transform_2, window_bounds = array<i64: 256, 1>}, {pipeline_mode = #tpu.pipeline_mode<synchronous>, transform_indices = @transform_3, window_bounds = array<i64: 1, 1>}, {transform_indices = @transform_4, window_bounds = array<i64: 1, 512, 1>}]} {
    %get3A = arith.constant 0 : index
    %get3A_0 = arith.constant 0 : index
    %get3A_1 = arith.constant 0 : index
    %get3A_2 = vector.load %arg3[%get3A, %get3A_0, %get3A_1] : memref<1x512x128xf32, #tpu.memory_space<vmem>>, vector<1x512x128xf32>
    %get3A_3 = vector.shape_cast %get3A_2 : vector<1x512x128xf32> to vector<512x128xf32>
    %get3A_4 = arith.constant 0 : index
    %get3A_5 = arith.constant 0 : index
    %get3A_6 = vector.load %arg5[%get3A_4, %get3A_5] : memref<1x1xf32, #tpu.memory_space<vmem>>, vector<1x1xf32>
    %get3A_7 = vector.extract %get3A_6[0, 0] : f32 from vector<1x1xf32>
    %get3A_8 = arith.constant 0 : index
    %get3A_9 = arith.constant 0 : index
    %get3A_10 = arith.constant 0 : index
    %get3A_11 = arith.constant 0 : index
    %get3A_12 = vector.load %arg2[%get3A_8, %get3A_9, %get3A_10, %get3A_11] : memref<8x1x512x128xf32, #tpu.memory_space<vmem>>, vector<1x1x512x128xf32>
    %get3A_13 = vector.shape_cast %get3A_12 : vector<1x1x512x128xf32> to vector<512x128xf32>
    %sub3A = arith.subf %get3A_13, %get3A_3 : vector<512x128xf32>
    %concatenate3A = tpu.concatenate %sub3A, %get3A_3 in 1 : vector<512x128xf32>, vector<512x128xf32> -> vector<512x256xf32>
    %get3A_14 = arith.constant 0 : index
    %get3A_15 = arith.constant 0 : index
    %get3A_16 = vector.load %arg4[%get3A_14, %get3A_15] : memref<256x1xf32, #tpu.memory_space<vmem>>, vector<256x1xf32>
    %dot_general3A = arith.constant dense<0.000000e+00> : vector<512x1xf32>
    %dot_general3A_17 = tpu.matmul %concatenate3A, %get3A_16, %dot_general3A {dimension_numbers = #tpu.dot_dimension_numbers<[1], [0], [0], [1], [0, 0, 1, 1], [], []>, transpose_lhs_hint = false} : vector<512x256xf32>, vector<256x1xf32>, vector<512x1xf32> -> vector<512x1xf32>
    %add3A = vector.broadcast %get3A_7 : f32 to vector<512x1xf32>
    %add3A_18 = arith.addf %dot_general3A_17, %add3A : vector<512x1xf32>
    %get3A_19 = arith.constant 1 : index
    %get3A_20 = arith.constant 0 : index
    %get3A_21 = arith.constant 0 : index
    %get3A_22 = arith.constant 0 : index
    %get3A_23 = vector.load %arg2[%get3A_19, %get3A_20, %get3A_21, %get3A_22] : memref<8x1x512x128xf32, #tpu.memory_space<vmem>>, vector<1x1x512x128xf32>
    %get3A_24 = vector.shape_cast %get3A_23 : vector<1x1x512x128xf32> to vector<512x128xf32>
    %sub3A_25 = arith.subf %get3A_24, %get3A_3 : vector<512x128xf32>
    %concatenate3A_26 = tpu.concatenate %sub3A_25, %get3A_3 in 1 : vector<512x128xf32>, vector<512x128xf32> -> vector<512x256xf32>
    %get3A_27 = arith.constant 0 : index
    %get3A_28 = arith.constant 0 : index
    %get3A_29 = vector.load %arg4[%get3A_27, %get3A_28] : memref<256x1xf32, #tpu.memory_space<vmem>>, vector<256x1xf32>
    %dot_general3A_30 = arith.constant dense<0.000000e+00> : vector<512x1xf32>
    %dot_general3A_31 = tpu.matmul %concatenate3A_26, %get3A_29, %dot_general3A_30 {dimension_numbers = #tpu.dot_dimension_numbers<[1], [0], [0], [1], [0, 0, 1, 1], [], []>, transpose_lhs_hint = false} : vector<512x256xf32>, vector<256x1xf32>, vector<512x1xf32> -> vector<512x1xf32>
    %add3A_32 = vector.broadcast %get3A_7 : f32 to vector<512x1xf32>
    %add3A_33 = arith.addf %dot_general3A_31, %add3A_32 : vector<512x1xf32>
    %max3A = arith.maximumf %add3A_18, %add3A_33 : vector<512x1xf32>
    %get3A_34 = arith.constant 2 : index
    %get3A_35 = arith.constant 0 : index
    %get3A_36 = arith.constant 0 : index
    %get3A_37 = arith.constant 0 : index
    %get3A_38 = vector.load %arg2[%get3A_34, %get3A_35, %get3A_36, %get3A_37] : memref<8x1x512x128xf32, #tpu.memory_space<vmem>>, vector<1x1x512x128xf32>
    %get3A_39 = vector.shape_cast %get3A_38 : vector<1x1x512x128xf32> to vector<512x128xf32>
    %sub3A_40 = arith.subf %get3A_39, %get3A_3 : vector<512x128xf32>
    %concatenate3A_41 = tpu.concatenate %sub3A_40, %get3A_3 in 1 : vector<512x128xf32>, vector<512x128xf32> -> vector<512x256xf32>
    %get3A_42 = arith.constant 0 : index
    %get3A_43 = arith.constant 0 : index
    %get3A_44 = vector.load %arg4[%get3A_42, %get3A_43] : memref<256x1xf32, #tpu.memory_space<vmem>>, vector<256x1xf32>
    %dot_general3A_45 = arith.constant dense<0.000000e+00> : vector<512x1xf32>
    %dot_general3A_46 = tpu.matmul %concatenate3A_41, %get3A_44, %dot_general3A_45 {dimension_numbers = #tpu.dot_dimension_numbers<[1], [0], [0], [1], [0, 0, 1, 1], [], []>, transpose_lhs_hint = false} : vector<512x256xf32>, vector<256x1xf32>, vector<512x1xf32> -> vector<512x1xf32>
    %add3A_47 = vector.broadcast %get3A_7 : f32 to vector<512x1xf32>
    %add3A_48 = arith.addf %dot_general3A_46, %add3A_47 : vector<512x1xf32>
    %max3A_49 = arith.maximumf %max3A, %add3A_48 : vector<512x1xf32>
    %get3A_50 = arith.constant 3 : index
    %get3A_51 = arith.constant 0 : index
    %get3A_52 = arith.constant 0 : index
    %get3A_53 = arith.constant 0 : index
    %get3A_54 = vector.load %arg2[%get3A_50, %get3A_51, %get3A_52, %get3A_53] : memref<8x1x512x128xf32, #tpu.memory_space<vmem>>, vector<1x1x512x128xf32>
    %get3A_55 = vector.shape_cast %get3A_54 : vector<1x1x512x128xf32> to vector<512x128xf32>
    %sub3A_56 = arith.subf %get3A_55, %get3A_3 : vector<512x128xf32>
    %concatenate3A_57 = tpu.concatenate %sub3A_56, %get3A_3 in 1 : vector<512x128xf32>, vector<512x128xf32> -> vector<512x256xf32>
    %get3A_58 = arith.constant 0 : index
    %get3A_59 = arith.constant 0 : index
    %get3A_60 = vector.load %arg4[%get3A_58, %get3A_59] : memref<256x1xf32, #tpu.memory_space<vmem>>, vector<256x1xf32>
    %dot_general3A_61 = arith.constant dense<0.000000e+00> : vector<512x1xf32>
    %dot_general3A_62 = tpu.matmul %concatenate3A_57, %get3A_60, %dot_general3A_61 {dimension_numbers = #tpu.dot_dimension_numbers<[1], [0], [0], [1], [0, 0, 1, 1], [], []>, transpose_lhs_hint = false} : vector<512x256xf32>, vector<256x1xf32>, vector<512x1xf32> -> vector<512x1xf32>
    %add3A_63 = vector.broadcast %get3A_7 : f32 to vector<512x1xf32>
    %add3A_64 = arith.addf %dot_general3A_62, %add3A_63 : vector<512x1xf32>
    %max3A_65 = arith.maximumf %max3A_49, %add3A_64 : vector<512x1xf32>
    %get3A_66 = arith.constant 4 : index
    %get3A_67 = arith.constant 0 : index
    %get3A_68 = arith.constant 0 : index
    %get3A_69 = arith.constant 0 : index
    %get3A_70 = vector.load %arg2[%get3A_66, %get3A_67, %get3A_68, %get3A_69] : memref<8x1x512x128xf32, #tpu.memory_space<vmem>>, vector<1x1x512x128xf32>
    %get3A_71 = vector.shape_cast %get3A_70 : vector<1x1x512x128xf32> to vector<512x128xf32>
    %sub3A_72 = arith.subf %get3A_71, %get3A_3 : vector<512x128xf32>
    %concatenate3A_73 = tpu.concatenate %sub3A_72, %get3A_3 in 1 : vector<512x128xf32>, vector<512x128xf32> -> vector<512x256xf32>
    %get3A_74 = arith.constant 0 : index
    %get3A_75 = arith.constant 0 : index
    %get3A_76 = vector.load %arg4[%get3A_74, %get3A_75] : memref<256x1xf32, #tpu.memory_space<vmem>>, vector<256x1xf32>
    %dot_general3A_77 = arith.constant dense<0.000000e+00> : vector<512x1xf32>
    %dot_general3A_78 = tpu.matmul %concatenate3A_73, %get3A_76, %dot_general3A_77 {dimension_numbers = #tpu.dot_dimension_numbers<[1], [0], [0], [1], [0, 0, 1, 1], [], []>, transpose_lhs_hint = false} : vector<512x256xf32>, vector<256x1xf32>, vector<512x1xf32> -> vector<512x1xf32>
    %add3A_79 = vector.broadcast %get3A_7 : f32 to vector<512x1xf32>
    %add3A_80 = arith.addf %dot_general3A_78, %add3A_79 : vector<512x1xf32>
    %max3A_81 = arith.maximumf %max3A_65, %add3A_80 : vector<512x1xf32>
    %get3A_82 = arith.constant 5 : index
    %get3A_83 = arith.constant 0 : index
    %get3A_84 = arith.constant 0 : index
    %get3A_85 = arith.constant 0 : index
    %get3A_86 = vector.load %arg2[%get3A_82, %get3A_83, %get3A_84, %get3A_85] : memref<8x1x512x128xf32, #tpu.memory_space<vmem>>, vector<1x1x512x128xf32>
    %get3A_87 = vector.shape_cast %get3A_86 : vector<1x1x512x128xf32> to vector<512x128xf32>
    %sub3A_88 = arith.subf %get3A_87, %get3A_3 : vector<512x128xf32>
    %concatenate3A_89 = tpu.concatenate %sub3A_88, %get3A_3 in 1 : vector<512x128xf32>, vector<512x128xf32> -> vector<512x256xf32>
    %get3A_90 = arith.constant 0 : index
    %get3A_91 = arith.constant 0 : index
    %get3A_92 = vector.load %arg4[%get3A_90, %get3A_91] : memref<256x1xf32, #tpu.memory_space<vmem>>, vector<256x1xf32>
    %dot_general3A_93 = arith.constant dense<0.000000e+00> : vector<512x1xf32>
    %dot_general3A_94 = tpu.matmul %concatenate3A_89, %get3A_92, %dot_general3A_93 {dimension_numbers = #tpu.dot_dimension_numbers<[1], [0], [0], [1], [0, 0, 1, 1], [], []>, transpose_lhs_hint = false} : vector<512x256xf32>, vector<256x1xf32>, vector<512x1xf32> -> vector<512x1xf32>
    %add3A_95 = vector.broadcast %get3A_7 : f32 to vector<512x1xf32>
    %add3A_96 = arith.addf %dot_general3A_94, %add3A_95 : vector<512x1xf32>
    %max3A_97 = arith.maximumf %max3A_81, %add3A_96 : vector<512x1xf32>
    %get3A_98 = arith.constant 6 : index
    %get3A_99 = arith.constant 0 : index
    %get3A_100 = arith.constant 0 : index
    %get3A_101 = arith.constant 0 : index
    %get3A_102 = vector.load %arg2[%get3A_98, %get3A_99, %get3A_100, %get3A_101] : memref<8x1x512x128xf32, #tpu.memory_space<vmem>>, vector<1x1x512x128xf32>
    %get3A_103 = vector.shape_cast %get3A_102 : vector<1x1x512x128xf32> to vector<512x128xf32>
    %sub3A_104 = arith.subf %get3A_103, %get3A_3 : vector<512x128xf32>
    %concatenate3A_105 = tpu.concatenate %sub3A_104, %get3A_3 in 1 : vector<512x128xf32>, vector<512x128xf32> -> vector<512x256xf32>
    %get3A_106 = arith.constant 0 : index
    %get3A_107 = arith.constant 0 : index
    %get3A_108 = vector.load %arg4[%get3A_106, %get3A_107] : memref<256x1xf32, #tpu.memory_space<vmem>>, vector<256x1xf32>
    %dot_general3A_109 = arith.constant dense<0.000000e+00> : vector<512x1xf32>
    %dot_general3A_110 = tpu.matmul %concatenate3A_105, %get3A_108, %dot_general3A_109 {dimension_numbers = #tpu.dot_dimension_numbers<[1], [0], [0], [1], [0, 0, 1, 1], [], []>, transpose_lhs_hint = false} : vector<512x256xf32>, vector<256x1xf32>, vector<512x1xf32> -> vector<512x1xf32>
    %add3A_111 = vector.broadcast %get3A_7 : f32 to vector<512x1xf32>
    %add3A_112 = arith.addf %dot_general3A_110, %add3A_111 : vector<512x1xf32>
    %max3A_113 = arith.maximumf %max3A_97, %add3A_112 : vector<512x1xf32>
    %get3A_114 = arith.constant 7 : index
    %get3A_115 = arith.constant 0 : index
    %get3A_116 = arith.constant 0 : index
    %get3A_117 = arith.constant 0 : index
    %get3A_118 = vector.load %arg2[%get3A_114, %get3A_115, %get3A_116, %get3A_117] : memref<8x1x512x128xf32, #tpu.memory_space<vmem>>, vector<1x1x512x128xf32>
    %get3A_119 = vector.shape_cast %get3A_118 : vector<1x1x512x128xf32> to vector<512x128xf32>
    %sub3A_120 = arith.subf %get3A_119, %get3A_3 : vector<512x128xf32>
    %concatenate3A_121 = tpu.concatenate %sub3A_120, %get3A_3 in 1 : vector<512x128xf32>, vector<512x128xf32> -> vector<512x256xf32>
    %get3A_122 = arith.constant 0 : index
    %get3A_123 = arith.constant 0 : index
    %get3A_124 = vector.load %arg4[%get3A_122, %get3A_123] : memref<256x1xf32, #tpu.memory_space<vmem>>, vector<256x1xf32>
    %dot_general3A_125 = arith.constant dense<0.000000e+00> : vector<512x1xf32>
    %dot_general3A_126 = tpu.matmul %concatenate3A_121, %get3A_124, %dot_general3A_125 {dimension_numbers = #tpu.dot_dimension_numbers<[1], [0], [0], [1], [0, 0, 1, 1], [], []>, transpose_lhs_hint = false} : vector<512x256xf32>, vector<256x1xf32>, vector<512x1xf32> -> vector<512x1xf32>
    %add3A_127 = vector.broadcast %get3A_7 : f32 to vector<512x1xf32>
    %add3A_128 = arith.addf %dot_general3A_126, %add3A_127 : vector<512x1xf32>
    %max3A_129 = arith.maximumf %max3A_113, %add3A_128 : vector<512x1xf32>
    %swap3A = arith.constant 0 : index
    %swap3A_130 = arith.constant 0 : index
    %swap3A_131 = arith.constant 0 : index
    %swap3A_132 = vector.load %arg6[%swap3A, %swap3A_130, %swap3A_131] : memref<1x512x1xf32, #tpu.memory_space<vmem>>, vector<1x512x1xf32>
    %swap3A_133 = vector.shape_cast %swap3A_132 : vector<1x512x1xf32> to vector<512x1xf32>
    %swap3A_134 = vector.shape_cast %max3A_129 : vector<512x1xf32> to vector<1x512x1xf32>
    tpu.vector_store %arg6[%swap3A, %swap3A_130, %swap3A_131], %swap3A_134 {strides = array<i32>} : memref<1x512x1xf32, #tpu.memory_space<vmem>>, vector<1x512x1xf32>,
    return
  }
  func.func @transform_0(%arg0: i32, %arg1: i32) -> (i32, i32, i32, i32) {
    %c0_i32 = arith.constant 0 : i32
    %c0_i32_0 = arith.constant 0 : i32
    %c0_i32_1 = arith.constant 0 : i32
    return %c0_i32, %arg0, %arg1, %c0_i32_0 : i32, i32, i32, i32
  }
  func.func @transform_1(%arg0: i32, %arg1: i32) -> (i32, i32, i32) {
    %c0_i32 = arith.constant 0 : i32
    %c0_i32_0 = arith.constant 0 : i32
    return %arg0, %arg1, %c0_i32 : i32, i32, i32
  }
  func.func @transform_2(%arg0: i32, %arg1: i32) -> (i32, i32) {
    %c0_i32 = arith.constant 0 : i32
    %c0_i32_0 = arith.constant 0 : i32
    %c0_i32_1 = arith.constant 0 : i32
    return %c0_i32, %c0_i32_0 : i32, i32
  }
  func.func @transform_3(%arg0: i32, %arg1: i32) -> (i32, i32) {
    %c0_i32 = arith.constant 0 : i32
    %c0_i32_0 = arith.constant 0 : i32
    %c0_i32_1 = arith.constant 0 : i32
    return %c0_i32, %c0_i32_0 : i32, i32
  }
  func.func @transform_4(%arg0: i32, %arg1: i32) -> (i32, i32, i32) {
    %c0_i32 = arith.constant 0 : i32
    %c0_i32_0 = arith.constant 0 : i32
    return %arg0, %arg1, %c0_i32 : i32, i32, i32
  }
}

module attributes {stable_mosaic.version = 14 : i64} {
  func.func @_rank_body(%arg0: i32, %arg1: i32, %arg2: memref<1x512x1xf32, #tpu.memory_space<vmem>>, %arg3: memref<1x1x2048xf32, #tpu.memory_space<vmem>>, %arg4: memref<1x512x128xf32, #tpu.memory_space<vmem>>, %arg5: memref<1x512x1xi32, #tpu.memory_space<vmem>>, %arg6: memref<1x512x128xf32, #tpu.memory_space<vmem>>) attributes {dimension_semantics = [#tpu.dimension_semantics<arbitrary>, #tpu.dimension_semantics<arbitrary>], iteration_bounds = array<i64: 4, 4>, scalar_prefetch = 0 : i64, scratch_operands = 0 : i64, tpu.core_type = #tpu.core_type<tc>, window_params = [{transform_indices = @transform_0, window_bounds = array<i64: 1, 512, 1>}, {transform_indices = @transform_1, window_bounds = array<i64: 1, 1, 2048>}, {transform_indices = @transform_2, window_bounds = array<i64: 1, 512, 128>}, {transform_indices = @transform_3, window_bounds = array<i64: 1, 512, 1>}, {transform_indices = @transform_4, window_bounds = array<i64: 1, 512, 128>}]} {
    %get3A = arith.constant 0 : index
    %get3A_0 = arith.constant 0 : index
    %get3A_1 = arith.constant 0 : index
    %get3A_2 = vector.load %arg2[%get3A, %get3A_0, %get3A_1] : memref<1x512x1xf32, #tpu.memory_space<vmem>>, vector<1x512x1xf32>
    %get3A_3 = vector.shape_cast %get3A_2 : vector<1x512x1xf32> to vector<512x1xf32>
    %max3A = arith.constant 0.000000e+00 : f32
    %max3A_4 = vector.broadcast %max3A : f32 to vector<512x1xf32>
    %max3A_5 = arith.maximumf %get3A_3, %max3A_4 : vector<512x1xf32>
    %get3A_6 = arith.constant 0 : index
    %get3A_7 = arith.constant 0 : index
    %get3A_8 = arith.constant 0 : index
    %get3A_9 = vector.load %arg3[%get3A_6, %get3A_7, %get3A_8] : memref<1x1x2048xf32, #tpu.memory_space<vmem>>, vector<1x1x2048xf32>
    %get3A_10 = vector.shape_cast %get3A_9 : vector<1x1x2048xf32> to vector<1x2048xf32>
    %max3A_11 = arith.constant 0.000000e+00 : f32
    %max3A_12 = vector.broadcast %max3A_11 : f32 to vector<1x2048xf32>
    %max3A_13 = arith.maximumf %get3A_10, %max3A_12 : vector<1x2048xf32>
    %gt3A = vector.broadcast %max3A_13 : vector<1x2048xf32> to vector<512x2048xf32>
    %gt3A_14 = vector.broadcast %max3A_5 : vector<512x1xf32> to vector<512x2048xf32>
    %gt3A_15 = arith.cmpf ogt, %gt3A, %gt3A_14 : vector<512x2048xf32>
    %convert_element_type3A = arith.extui %gt3A_15 : vector<512x2048xi1> to vector<512x2048xi32>
    %mul3A = arith.constant 512 : i32
    %mul3A_16 = arith.muli %arg1, %mul3A : i32
    %iota3A = tpu.iota {dimensions = array<i32: 0>} : vector<512x1xi32>
    %add3A = vector.broadcast %mul3A_16 : i32 to vector<512x1xi32>
    %add3A_17 = arith.addi %add3A, %iota3A : vector<512x1xi32>
    %iota3A_18 = tpu.iota {dimensions = array<i32: 1>} : vector<512x2048xi32>
    %eq3A = vector.broadcast %max3A_13 : vector<1x2048xf32> to vector<512x2048xf32>
    %eq3A_19 = vector.broadcast %max3A_5 : vector<512x1xf32> to vector<512x2048xf32>
    %eq3A_20 = arith.cmpf oeq, %eq3A, %eq3A_19 : vector<512x2048xf32>
    %lt3A = vector.broadcast %add3A_17 : vector<512x1xi32> to vector<512x2048xi32>
    %lt3A_21 = arith.cmpi slt, %iota3A_18, %lt3A : vector<512x2048xi32>
    %and3A = arith.andi %eq3A_20, %lt3A_21 : vector<512x2048xi1>
    %convert_element_type3A_22 = arith.extui %and3A : vector<512x2048xi1> to vector<512x2048xi32>
    %add3A_23 = arith.addi %convert_element_type3A, %convert_element_type3A_22 : vector<512x2048xi32>
    %reduce_sum3A = arith.constant dense<0> : vector<512xi32>
    %reduce_sum3A_24 = vector.multi_reduction <add>, %add3A_23, %reduce_sum3A [1] : vector<512x2048xi32> to vector<512xi32>
    %broadcast_in_dim3A = vector.shape_cast %reduce_sum3A_24 : vector<512xi32> to vector<512x1xi32>
    %mul3A_25 = arith.constant 2048 : i32
    %mul3A_26 = arith.muli %arg0, %mul3A_25 : i32
    %add3A_27 = vector.broadcast %mul3A_26 : i32 to vector<512x1xi32>
    %add3A_28 = arith.addi %add3A_27, %add3A_17 : vector<512x1xi32>
    %lt3A_29 = arith.constant 1024 : i32
    %lt3A_30 = vector.broadcast %lt3A_29 : i32 to vector<512x1xi32>
    %lt3A_31 = arith.cmpi slt, %broadcast_in_dim3A, %lt3A_30 : vector<512x1xi32>
    %mul3A_32 = arith.constant 1024 : i32
    %mul3A_33 = arith.muli %arg0, %mul3A_32 : i32
    %add3A_34 = vector.broadcast %mul3A_33 : i32 to vector<512x1xi32>
    %add3A_35 = arith.addi %add3A_34, %broadcast_in_dim3A : vector<512x1xi32>
    %add3A_36 = arith.constant 4096 : i32
    %add3A_37 = vector.broadcast %add3A_36 : i32 to vector<512x1xi32>
    %add3A_38 = arith.addi %add3A_37, %add3A_28 : vector<512x1xi32>
    %select_n3A = arith.select %lt3A_31, %add3A_35, %add3A_38 : vector<512x1xi1>, vector<512x1xi32>
    %swap3A = arith.constant 0 : index
    %swap3A_39 = arith.constant 0 : index
    %swap3A_40 = arith.constant 0 : index
    %swap3A_41 = vector.load %arg5[%swap3A, %swap3A_39, %swap3A_40] : memref<1x512x1xi32, #tpu.memory_space<vmem>>, vector<1x512x1xi32>
    %swap3A_42 = vector.shape_cast %swap3A_41 : vector<1x512x1xi32> to vector<512x1xi32>
    %swap3A_43 = vector.shape_cast %select_n3A : vector<512x1xi32> to vector<1x512x1xi32>
    tpu.vector_store %arg5[%swap3A, %swap3A_39, %swap3A_40], %swap3A_43 {strides = array<i32>} : memref<1x512x1xi32, #tpu.memory_space<vmem>>, vector<1x512x1xi32>,
    %get3A_44 = arith.constant 0 : index
    %get3A_45 = arith.constant 0 : index
    %get3A_46 = arith.constant 0 : index
    %get3A_47 = vector.load %arg4[%get3A_44, %get3A_45, %get3A_46] : memref<1x512x128xf32, #tpu.memory_space<vmem>>, vector<1x512x128xf32>
    %get3A_48 = vector.shape_cast %get3A_47 : vector<1x512x128xf32> to vector<512x128xf32>
    %tanh3A = math.tanh %max3A_5 : vector<512x1xf32>
    %mul3A_49 = vector.broadcast %tanh3A : vector<512x1xf32> to vector<512x128xf32>
    %mul3A_50 = arith.mulf %get3A_48, %mul3A_49 : vector<512x128xf32>
    %swap3A_51 = arith.constant 0 : index
    %swap3A_52 = arith.constant 0 : index
    %swap3A_53 = arith.constant 0 : index
    %swap3A_54 = vector.load %arg6[%swap3A_51, %swap3A_52, %swap3A_53] : memref<1x512x128xf32, #tpu.memory_space<vmem>>, vector<1x512x128xf32>
    %swap3A_55 = vector.shape_cast %swap3A_54 : vector<1x512x128xf32> to vector<512x128xf32>
    %swap3A_56 = vector.shape_cast %mul3A_50 : vector<512x128xf32> to vector<1x512x128xf32>
    tpu.vector_store %arg6[%swap3A_51, %swap3A_52, %swap3A_53], %swap3A_56 {strides = array<i32>} : memref<1x512x128xf32, #tpu.memory_space<vmem>>, vector<1x512x128xf32>,
    return
  }
  func.func @transform_0(%arg0: i32, %arg1: i32) -> (i32, i32, i32) {
    %c0_i32 = arith.constant 0 : i32
    %c0_i32_0 = arith.constant 0 : i32
    return %arg0, %arg1, %c0_i32 : i32, i32, i32
  }
  func.func @transform_1(%arg0: i32, %arg1: i32) -> (i32, i32, i32) {
    %c0_i32 = arith.constant 0 : i32
    %c0_i32_0 = arith.constant 0 : i32
    %c0_i32_1 = arith.constant 0 : i32
    return %arg0, %c0_i32, %c0_i32_0 : i32, i32, i32
  }
  func.func @transform_2(%arg0: i32, %arg1: i32) -> (i32, i32, i32) {
    %c0_i32 = arith.constant 0 : i32
    %c0_i32_0 = arith.constant 0 : i32
    return %arg0, %arg1, %c0_i32 : i32, i32, i32
  }
  func.func @transform_3(%arg0: i32, %arg1: i32) -> (i32, i32, i32) {
    %c0_i32 = arith.constant 0 : i32
    %c0_i32_0 = arith.constant 0 : i32
    return %arg0, %arg1, %c0_i32 : i32, i32, i32
  }
  func.func @transform_4(%arg0: i32, %arg1: i32) -> (i32, i32, i32) {
    %c0_i32 = arith.constant 0 : i32
    %c0_i32_0 = arith.constant 0 : i32
    return %arg0, %arg1, %c0_i32 : i32, i32, i32
  }
}

</mosaic_0001>

<sc_bundles>
// kernel: kernel.10.cloned.1.call-start
scs
__scs_entry_jumppad:
0x0: {  	(pc) =	sbr.rel $0x88, $3  }
0x1: {  	(tag) =	ssettag $0x0;
	lr =	simm.s32 $0x1  }
0x2: {  	[smem:$0x3F9E] =	sst lr;
	_ =	strace $0xD0000000  }
0x3: {  	_ = 	snop  }
0x4: {  	_ = 	snop  }
0x5: {  	_ = 	snop  }
0x6: {  	_ = 	snop  }
0x7: {  	_ = 	snop  }
__scs_overlays_trampoline_lowered:
0x8: {  	[smem:$0x3FAD] =	sst s0  }
0x9: {  	[smem:$0x3FAE] =	sst s1  }
0xa: {  	[smem:$0x3FAF] =	sst s2  }
0xb: {  	[smem:$0x3FB0] =	sst s3  }
0xc: {  	[smem:$0x3FB1] =	sst s4  }
0xd: {  	[smem:$0x3FB2] =	sst s5  }
0xe: {  	[smem:$0x3FB3] =	sst s6  }
0xf: {  	[smem:$0x3FB4] =	sst s7  }
0x10: {  	[smem:$0x3FB5] =	sst s8  }
0x11: {  	[smem:$0x3FB6] =	sst s9;
	s0 =	simm.s32 @!p0 $0x0  }
0x12: {  	s1 =	sld [smem:$0x3F9C];
	s0 =	simm.s32 @p0 $0x1  }
0x13: {  	[smem:$0x3FB7] =	sst s0;
	s0 =	simm.s32 @!p1 $0x0  }
0x14: {  	s2 =	sld [smem:$0x3F9B];
	s0 =	simm.s32 @p1 $0x1  }
0x15: {  	[smem:$0x3FB8] =	sst s0;
	s0 =	simm.s32 @!p2 $0x0  }
0x16: {  	s3 =	sld [smem:$0x3FDB];
	s0 =	simm.s32 @p2 $0x1  }
0x17: {  	s4 =	simm.s32 $0x1BF5;
	[smem:$0x3FBA] =	sst s0  }
0x18: {  	s0 =	sld [smem:$0x3F9D];
	_ =	swait.ge [sflag:s4], $0x0  }
0x19: {  	s7 =	sld [smem:$0x3F9E]  }
0x1a: {  	s8 =	sadd.s32 $0xFFFFE003, lr  }
0x1b: {  	s9 =	sadd.s32 $0xFFFFFEF7, lr;
	s5 =	simm.s32 $0xFFFFFFFF;
	p2 =	slt.u32 s8, $0xFFFFF086  }
0x1c: {  	p1 =	slt.u32 s9, $0xF7A;
	s5 =	simm.s32 @!p2 $0x0  }
0x1d: {  	s5 =	simm.s32 @p1 $0x1;
	p0 =	seq.s32 s7, s2  }
0x1e: {  	s7 =	smul.u32 @!p0 $0xF7A, s2;
	p2 =	seq.s32 @!p0 s5, $0x0  }
0x1f: {  	s9 =	smul.u32 $0xF7A, s1;
	s8 =	simm.s32 @!p0 $0x1BF5;
	p2 =	por !p2, p0  }
0x20: {  	[sflag:s8] =	ssyncset.s32 @!p0 $0xFFFFF086;
	s6 =	sadd.s32 @!p0 s3, s7;
	s7 =	simm.s32 @!p0 $0x108  }
0x21: {  	s3 =	sadd.s32 s3, s9;
	s6 =	sadd.s32 @!p0 $0x88, s6;
	s7 =	simm.s32 @p2 $0x1082  }
0x22: {  	[simem:s7], [sflag:s8] =	dma.local @!p0 [hbm:s6], $0xF7A  }
0x23: {  	s9 =	sor.u32 $0xD0000000, s2;
	s6 =	simm.s32 $0x108;
	_ =	swait.ge @!p0 [sflag:s8], $0x0  }
0x24: {  	s3 =	sadd.s32 $0x88, s3;
	s6 =	simm.s32 @!p1 $0x1082;
	[sflag:s4] =	ssyncset.s32 $0xFFFFF086  }
0x25: {  	[simem:s6], [sflag:s4] =	dma.local [hbm:s3], $0xF7A  }
0x26: {  	[smem:$0x3F9E] =	sst s1;
	(tag) =	ssettag s2;
	_ =	strace s9  }
0x27: {  	s1 =	sld [smem:$0x3FAE]  }
0x28: {  	s2 =	sld [smem:$0x3FAF]  }
0x29: {  	s4 =	sld [smem:$0x3FB1]  }
0x2a: {  	p0 =	seq.s32 s5, $0x0;
	s5 =	sld [smem:$0x3FB2]  }
0x2b: {  	s6 =	sld [smem:$0x3FB3]  }
0x2c: {  	s7 =	sld [smem:$0x3FB4]  }
0x2d: {  	s3 =	simm.s32 $0x108;
	s8 =	sld [smem:$0x3FB5]  }
0x2e: {  	s3 =	simm.s32 @!p0 $0x1082;
	s9 =	sld [smem:$0x3FB6]  }
0x2f: {  	lr =	sadd.s32 s0, s3;
	s0 =	sld [smem:$0x3FAD]  }
0x30: {  	s3 =	sld [smem:$0x3FB0]  }
0x31: {  	[smem:$0x3FB9] =	sst s10  }
0x32: {  	s10 =	sld [smem:$0x3FB7];
	_ =	sdelay $0x3  }
0x33: {  	p0 =	seq.s32 s10, $0x1;
	s10 =	sld [smem:$0x3FB9];
	_ =	sdelay $0x3  }
0x34: {  	[smem:$0x3FB9] =	sst s10  }
0x35: {  	s10 =	sld [smem:$0x3FB8];
	_ =	sdelay $0x3  }
0x36: {  	p1 =	seq.s32 s10, $0x1;
	s10 =	sld [smem:$0x3FB9];
	_ =	sdelay $0x3  }
0x37: {  	[smem:$0x3FB9] =	sst s10  }
0x38: {  	s10 =	sld [smem:$0x3FBA]  }
0x39: {  	_ = 	snop;
	(pc) =	sbr.ind lr, $3  }
0x3a: {  	_ = 	snop  }
0x3b: {  	_ = 	snop  }
0x3c: {  	p2 =	seq.s32 s10, $0x1;
	s10 =	sld [smem:$0x3FB9]  }
0x3d: {  	_ =	shalt  }
0x3e: {  	_ =	shalt  }
0x3f: {  	_ =	shalt  }
0x40: {  	_ =	shalt  }
0x41: {  	_ =	shalt  }
0x42: {  	_ =	shalt  }
0x43: {  	_ =	shalt  }
0x44: {  	_ =	shalt  }
0x45: {  	_ =	shalt  }
0x46: {  	_ =	shalt  }
0x47: {  	_ =	shalt  }
0x48: {  	_ =	shalt  }
0x49: {  	_ =	shalt  }
0x4a: {  	_ =	shalt  }
0x4b: {  	_ =	shalt  }
0x4c: {  	_ =	shalt  }
0x4d: {  	_ =	shalt  }
0x4e: {  	_ =	shalt  }
0x4f: {  	_ =	shalt  }
0x50: {  	_ =	shalt  }
0x51: {  	_ =	shalt  }
0x52: {  	_ =	shalt  }
0x53: {  	_ =	shalt  }
0x54: {  	_ =	shalt  }
0x55: {  	_ =	shalt  }
0x56: {  	_ =	shalt  }
0x57: {  	_ =	shalt  }
0x58: {  	_ =	shalt  }
0x59: {  	_ =	shalt  }
0x5a: {  	_ =	shalt  }
0x5b: {  	_ =	shalt  }
0x5c: {  	_ =	shalt  }
0x5d: {  	_ =	shalt  }
0x5e: {  	_ =	shalt  }
0x5f: {  	_ =	shalt  }
0x60: {  	_ =	shalt  }
0x61: {  	_ =	shalt  }
0x62: {  	_ =	shalt  }
0x63: {  	_ =	shalt  }
0x64: {  	_ =	shalt  }
0x65: {  	_ =	shalt  }
0x66: {  	_ =	shalt  }
0x67: {  	_ =	shalt  }
0x68: {  	_ =	shalt  }
0x69: {  	_ =	shalt  }
0x6a: {  	_ =	shalt  }
0x6b: {  	_ =	shalt  }
0x6c: {  	_ =	shalt  }
0x6d: {  	_ =	shalt  }
0x6e: {  	_ =	shalt  }
0x6f: {  	_ =	shalt  }
0x70: {  	_ =	shalt  }
0x71: {  	_ =	shalt  }
0x72: {  	_ =	shalt  }
0x73: {  	_ =	shalt  }
0x74: {  	_ =	shalt  }
0x75: {  	_ =	shalt  }
0x76: {  	_ =	shalt  }
0x77: {  	_ =	shalt  }
0x78: {  	_ =	shalt  }
0x79: {  	_ =	shalt  }
0x7a: {  	_ =	shalt  }
0x7b: {  	_ =	shalt  }
0x7c: {  	_ =	shalt  }
0x7d: {  	_ =	shalt  }
0x7e: {  	_ =	shalt  }
0x7f: {  	_ =	shalt  }
0x80: {  	_ =	shalt  }
0x81: {  	_ =	shalt  }
0x82: {  	_ =	shalt  }
0x83: {  	_ =	shalt  }
0x84: {  	_ =	shalt  }
0x85: {  	_ =	shalt  }
0x86: {  	_ =	shalt  }
0x87: {  	_ =	shalt  }
.Lfunc_end0:
.L_simem_size_0:
called_computation.1_lowered:
.L_overlay_start_0:
0x88: {  	s2 =	sld [smem:$0x3FD9]  }
0x89: {  	s3 =	sld [smem:$0x3FFE];
	_ =	sdelay $0x1  }
0x8a: {  	s1 =	srdreg.scid  }
0x8b: {  	s0 =	sand.u32 $0x1, s1  }
0x8c: {  	s17 =	sshll.u32 s0, $0xA;
	s2 =	sadd.s32 s3, s2  }
0x8d: {  	s2 =	sadd.s32 s2, s17  }
0x8e: {  	[smem:$0x3FC5] =	sst s2  }
0x8f: {  	_ = 	snop  }
0x90: {  	s2 =	sld [smem:$0x3FD0];
	(tm) =	ssettm $0x1  }
0x91: {  	s18 =	sld [smem:$0x3FFB];
	_ =	sdelay $0x3  }
0x92: {  	_ =	strace s18  }
0x93: {  	s3 =	sld [smem:$0x3FFC];
	_ =	sdelay $0x3  }
0x94: {  	_ =	strace s3  }
0x95: {  	s3 =	sld [smem:$0x3FFD];
	_ =	sdelay $0x3  }
0x96: {  	_ =	strace s3  }
0x97: {  	_ =	strace $0x8FFFFFFF  }
0x98: {  	s19 =	sld [smem:$0x3FDB];
	_ =	sdelay $0x1  }
0x99: {  	s4 =	simm.s32 $_scs_section_size  }
0x9a: {  	s5 =	simm.s32 $_size__tile_overlayer_lowered;
	s6 =	simm.s32 $_tile_overlayer_lowered  }
0x9b: {  	s22 =	simm.s32 $0x1BFF;
	s21 =	sshll.u32 s6, $0x1;
	s3 =	sadd.s32 s4, s19  }
0x9c: {  	s7 =	simm.s32 $0x0;
	s20 =	sshll.u32 s5, $0x1;
	s5 =	sadd.s32 s21, s3  }
0x9d: {  	[timem:s7], [sflag:s22] =	dma.local [hbm:s5], s20  }
0x9e: {  	_ =	swait.ge [sflag:s22], s20  }
0x9f: {  	s4 =	ssub.s32 $0x0, s20;
	[sflag:s22] =	ssyncset.done $0x0  }
0xa0: {  	[sflag:s22] =	ssyncadd.s32 s4;
	_ =	sdelay $0x1  }
0xa1: {  	s23 =	simm.s32 $0x1B8B  }
0xa2: {  	_ =	swait.ge [sflag:s23], $0x1  }
0xa3: {  	[sflag:s23] =	ssyncset.done $0x0  }
0xa4: {  	s25 =	simm.s32 $0x1B8E;
	s24 =	sld [smem:$0x3FFE];
	[sflag:s23] =	ssyncadd.s32 $0xFFFFFFFF  }
0xa5: {  	s26 =	simm.s32 $execute0_lowered;
	[smem:$0x3FD2] =	sst s25  }
0xa6: {  	s5 =	sshll.u32 s26, $0x1;
	_ =	strace $0x80000049;
	[dreg:$0x1] =	wrdreg $0xFFFFFFFF  }
0xa7: {  	s28 =	simm.s32 $_size_execute0_lowered;
	s3 =	sadd.s32 s3, s5;
	[dreg:$0x0] =	wrdreg $0x0  }
0xa8: {  	s5 =	sshll.u32 s28, $0x1;
	[dreg:$0x2] =	wrdreg s3  }
0xa9: {  	[dreg:$0x3] =	wrdreg s5  }
0xaa: {  	[dreg:$0x4] =	wrdreg $0xC0  }
0xab: {  	_ =	task [dreg:s7], $0x5FFFF  }
0xac: {  	[dreg:$0x1] =	wrdreg $0xFFFFFFFF  }
0xad: {  	[dreg:$0x0] =	wrdreg $0x60  }
0xae: {  	[dreg:$0x2] =	wrdreg s24  }
0xaf: {  	[dreg:$0x3] =	wrdreg s2  }
0xb0: {  	[dreg:$0x4] =	wrdreg $0x9  }
0xb1: {  	_ =	task.clear_ibuf [dreg:s7], $0x5FFFF;
	_ =	strace $0x90000049  }
0xb2: {  	s29 =	simm.s32 $0x9;
	_ =	strace $0x8000004B  }
0xb3: {  	_ =	swait.ge [sflag:s29], $0x1  }
0xb4: {  	[sflag:s29] =	ssyncadd.s32 $0xFFFFFFFF  }
0xb5: {  	_ =	strace $0x9000004B  }
0xb6: {  	_ =	sfence  }
0xb7: {  	s30 =	sld [smem:$0x0];
	_ =	sdelay $0x2  }
0xb8: {  	s31 =	sshll.u32 s1, $0xD;
	s1 =	sshrl.u32 s1, $0x2  }
0xb9: {  	s3 =	sand.u32 $0x4000, s31;
	s1 =	sadd.s32 s1, s30  }
0xba: {  	s0 =	sor.u32 s3, s0;
	s1 =	sshll.u32 s1, $0x11  }
0xbb: {  	s0 =	sor.u32 s1, s0  }
0xbc: {  	s0 =	sadd.s32 $0x8F2B, s0  }
0xbd: {  	[sflag:s0] =	ssyncadd.remote.s32 $0x1  }
0xbe: {  	_ =	sfence.sel $0xFFFF  }
0xbf: {  	[dreg:$0x0] =	wrdreg $0xFFFFFFFF;
	(pc) =	sbr.abs _section_cstart, $3  }
0xc0: {  	[dreg:$0x1] =	wrdreg $0xFFFFFFFF  }
0xc1: {  	_ =	task.clear_ibuf [dreg:s7], $0x2FFFF;
	_ =	strace $0x9FFFFFFF  }
0xc2: {  	(tm) =	ssettm $0x7FFFFFFF  }
0xc3: {  	_ =	shalt  }
tec
execute0_lowered:
.L_overlay_start_1:
0x0: {  	(tag) =	ssettag $0x1  }
0x1: {  	s1 =	srdreg.scid  }
0x2: {  	s9 =	rddreg [dreg:$0x0];
	s0 =	stileid.u32;
	s10 =	sand.u32 $0x1, s1  }
0x3: {  	s3 =	rddreg [dreg:$0x1];
	s4 =	sshll.u32 s0, $0x9;
	s5 =	sshll.u32 s10, $0x8  }
0x4: {  	s2 =	simm.s32 $0x0;
	s1 =	rddreg [dreg:$0x2];
	s7 =	sor.u32 s5, s4  }
0x5: {  	[smem:$0x7FF] =	sst s2;
	s4 =	sshrl.u32 s7, $0x3  }
0x6: {  	_ =	strace $0x8000004A;
	s3 =	sadd.s32 s3, s4;
	s4 =	simm.s32 $0x2  }
0x7: {  	[tilespmem:s2], [sflag:$0x2] =	stream.linear.gather [hbm4b:s3+s2], $0x80, $0x38;
	[tilespmem:$0x8100] =	vst v63  }
0x8: {  	_ =	swait.ge [sflag:s4], $0x80  }
0x9: {  	[sflag:s4] =	ssyncset.done $0x0  }
0xa: {  	s6 =	simm.s32 $0x80;
	s5 =	sadd.s32 $0x10, s3;
	[sflag:s4] =	ssyncadd.s32 $0xFFFFFF80  }
0xb: {  	[tilespmem:s6], [sflag:$0x2] =	stream.linear.gather [hbm4b:s5+s2], $0x80, $0x38;
	[tilespmem:$0x8100] =	vst v63  }
0xc: {  	s8 =	simm.s32 $0x100;
	s7 =	sshll.u32 s7, $0x4;
	_ =	swait.ge [sflag:s4], $0x80  }
0xd: {  	s10 =	ssub.s32 $0x2, s10;
	s7 =	sadd.s32 s7, s9;
	[sflag:s4] =	ssyncset.done $0x0  }
0xe: {  	s11 =	sshrl.u32 s10, $0x1;
	s7 =	sadd.s32 $0x400, s7;
	[sflag:s4] =	ssyncadd.s32 $0xFFFFFF80  }
0xf: {  	[tilespmem:s8], [sflag:$0x2] =	stream.linear.gather [hbm4b:s7+s2], $0x8000, $0x38;
	[tilespmem:$0x8100] =	vst v63  }
0x10: {  	s10 =	ssub.s32 s10, s11;
	_ =	swait.ge [sflag:s4], $0x8000  }
0x11: {  	s12 =	smax.u32 s10, $0x1;
	[sflag:s4] =	ssyncset.done $0x0  }
0x12: {  	s9 =	sadd.s32 $0x20400, s9;
	p0 =	sne.s32 s12, $0x1;
	[sflag:s4] =	ssyncadd.s32 $0xFFFF8000  }
0x13: {  	[hbm4b:s9+s6] =	stream.indirect.scatter [tilespmem:s8], [sflag:$0x1], $0x80, s2, s6, $0xb8;
	[tilespmem:$0x8100] =	vst v63  }
.Ltmp0:
0x14: {  	_ = 	snop;
	(pc) =	sbr.rel @!p0 .LBB2_2-.Ltmp0, $4  }
0x15: {  	s11 =	simm.s32 $0x4100;
	s10 =	simm.s32 $0x1  }
0x16: {  	[hbm4b:s9+s6] =	stream.indirect.scatter [tilespmem:s11], [sflag:$0x1], $0x80, s6, s6, $0xb8;
	[tilespmem:$0x8100] =	vst v63  }
0x17: {  	_ =	swait.ge [sflag:s10], $0x8000  }
0x18: {  	s12 =	sadd.s32 $0xFFFFFFFF, s12;
	[sflag:s10] =	ssyncset.done $0x0  }
.LBB2_1:
0x19: {  	p0 =	sne.s32 s12, $0x1;
	s12 =	sadd.s32 $0xFFFFFFFF, s12;
	[sflag:s10] =	ssyncadd.s32 $0xFFFF8000  }
0x1a: {  	_ = 	snop  }
0x1b: {  	[tilespmem:s2], [sflag:$0x2] =	stream.linear.gather [hbm4b:s3+s2], $0x80, $0x38;
	[tilespmem:$0x8100] =	vst v63  }
0x1c: {  	_ =	swait.ge [sflag:s4], $0x80  }
0x1d: {  	[sflag:s4] =	ssyncset.done $0x0  }
0x1e: {  	[sflag:s4] =	ssyncadd.s32 $0xFFFFFF80  }
0x1f: {  	[tilespmem:s6], [sflag:$0x2] =	stream.linear.gather [hbm4b:s5+s2], $0x80, $0x38;
	[tilespmem:$0x8100] =	vst v63  }
0x20: {  	_ =	swait.ge [sflag:s4], $0x80  }
0x21: {  	[sflag:s4] =	ssyncset.done $0x0  }
0x22: {  	[sflag:s4] =	ssyncadd.s32 $0xFFFFFF80  }
0x23: {  	[tilespmem:s8], [sflag:$0x2] =	stream.linear.gather [hbm4b:s7+s2], $0x8000, $0x38;
	[tilespmem:$0x8100] =	vst v63  }
0x24: {  	_ =	swait.ge [sflag:s4], $0x8000  }
0x25: {  	[sflag:s4] =	ssyncset.done $0x0  }
0x26: {  	[sflag:s4] =	ssyncadd.s32 $0xFFFF8000  }
0x27: {  	[hbm4b:s9+s6] =	stream.indirect.scatter [tilespmem:s8], [sflag:$0x1], $0x80, s2, s6, $0xb8;
	[tilespmem:$0x8100] =	vst v63  }
.Ltmp1:
0x28: {  	_ = 	snop;
	(pc) =	sbr.rel @p0 .LBB2_1-.Ltmp1, $4  }
0x29: {  	_ = 	snop  }
0x2a: {  	[hbm4b:s9+s6] =	stream.indirect.scatter [tilespmem:s11], [sflag:$0x1], $0x80, s6, s6, $0xb8;
	[tilespmem:$0x8100] =	vst v63  }
0x2b: {  	_ =	swait.ge [sflag:s10], $0x8000  }
0x2c: {  	[sflag:s10] =	ssyncset.done $0x0  }
.LBB2_2:
0x2d: {  	[sflag:s10] =	ssyncadd.s32 $0xFFFF8000  }
0x2e: {  	_ =	sfence.sel $0x180000  }
0x2f: {  	[bflag:$0x0] =	sbarrier.arrive $0xFFFF  }
0x30: {  	p0 =	sne.s32 s0, $0x0;
	_ =	strace $0x9000004A  }
0x31: {  	s0 =	sadd.s32 @!p0 $0x100000, s1;
	[bflag:$0x2] =	sbarrier.arrive $0xFFFF  }
0x32: {  	[sflag:s0] =	ssyncadd.tile.s32 @!p0 $0x1;
	_ =	shalt  }
.Lfunc_end2:
_tile_overlayer_lowered:
.L_overlay_start_2:
0x33: {  	(tag) =	ssettag $0x2  }
0x34: {  	s0 =	rddreg [dreg:$0x0];
	s2 =	stileid.u32  }
0x35: {  	s1 =	rddreg [dreg:$0x1];
	p0 =	sne.s32 s2, $0x0  }
0x36: {  	s3 =	rddreg [dreg:$0x2];
	[bflag:$0x3] =	sbarrier.arrive $0xFFFF;
	s2 =	simm.s32 @!p0 $0x1C02  }
0x37: {  	[timem:s3], [sflag:s2] =	dma.local @!p0 [hbm:s0], s1  }
0x38: {  	s0 =	simm.s32 @!p0 $0x2  }
0x39: {  	_ =	swait.ge @!p0 [sflag:s0], s1  }
0x3a: {  	s1 =	ssub.s32 @!p0 $0x0, s1;
	[sflag:s0] =	ssyncset.done @!p0 $0x0  }
0x3b: {  	[sflag:s0] =	ssyncadd.s32 @!p0 s1  }
0x3c: {  	[bflag:$0x3] =	sbarrier.arrive $0xFFFF  }
0x3d: {  	_ =	shalt  }

// kernel: kernel.7.cloned.1.call-start
scs
__scs_entry_jumppad:
0x0: {  	(pc) =	sbr.rel $0x88, $3  }
0x1: {  	(tag) =	ssettag $0x0;
	lr =	simm.s32 $0x1  }
0x2: {  	[smem:$0x3F9E] =	sst lr;
	_ =	strace $0xD0000000  }
0x3: {  	_ = 	snop  }
0x4: {  	_ = 	snop  }
0x5: {  	_ = 	snop  }
0x6: {  	_ = 	snop  }
0x7: {  	_ = 	snop  }
__scs_overlays_trampoline_lowered:
0x8: {  	[smem:$0x3FAD] =	sst s0  }
0x9: {  	[smem:$0x3FAE] =	sst s1  }
0xa: {  	[smem:$0x3FAF] =	sst s2  }
0xb: {  	[smem:$0x3FB0] =	sst s3  }
0xc: {  	[smem:$0x3FB1] =	sst s4  }
0xd: {  	[smem:$0x3FB2] =	sst s5  }
0xe: {  	[smem:$0x3FB3] =	sst s6  }
0xf: {  	[smem:$0x3FB4] =	sst s7  }
0x10: {  	[smem:$0x3FB5] =	sst s8  }
0x11: {  	[smem:$0x3FB6] =	sst s9;
	s0 =	simm.s32 @!p0 $0x0  }
0x12: {  	s1 =	sld [smem:$0x3F9C];
	s0 =	simm.s32 @p0 $0x1  }
0x13: {  	[smem:$0x3FB7] =	sst s0;
	s0 =	simm.s32 @!p1 $0x0  }
0x14: {  	s2 =	sld [smem:$0x3F9B];
	s0 =	simm.s32 @p1 $0x1  }
0x15: {  	[smem:$0x3FB8] =	sst s0;
	s0 =	simm.s32 @!p2 $0x0  }
0x16: {  	s3 =	sld [smem:$0x3FDB];
	s0 =	simm.s32 @p2 $0x1  }
0x17: {  	s4 =	simm.s32 $0x1BF5;
	[smem:$0x3FBA] =	sst s0  }
0x18: {  	s0 =	sld [smem:$0x3F9D];
	_ =	swait.ge [sflag:s4], $0x0  }
0x19: {  	s7 =	sld [smem:$0x3F9E]  }
0x1a: {  	s8 =	sadd.s32 $0xFFFFE003, lr  }
0x1b: {  	s9 =	sadd.s32 $0xFFFFFEF7, lr;
	s5 =	simm.s32 $0xFFFFFFFF;
	p2 =	slt.u32 s8, $0xFFFFF086  }
0x1c: {  	p1 =	slt.u32 s9, $0xF7A;
	s5 =	simm.s32 @!p2 $0x0  }
0x1d: {  	s5 =	simm.s32 @p1 $0x1;
	p0 =	seq.s32 s7, s2  }
0x1e: {  	s7 =	smul.u32 @!p0 $0xF7A, s2;
	p2 =	seq.s32 @!p0 s5, $0x0  }
0x1f: {  	s9 =	smul.u32 $0xF7A, s1;
	s8 =	simm.s32 @!p0 $0x1BF5;
	p2 =	por !p2, p0  }
0x20: {  	[sflag:s8] =	ssyncset.s32 @!p0 $0xFFFFF086;
	s6 =	sadd.s32 @!p0 s3, s7;
	s7 =	simm.s32 @!p0 $0x108  }
0x21: {  	s3 =	sadd.s32 s3, s9;
	s6 =	sadd.s32 @!p0 $0x88, s6;
	s7 =	simm.s32 @p2 $0x1082  }
0x22: {  	[simem:s7], [sflag:s8] =	dma.local @!p0 [hbm:s6], $0xF7A  }
0x23: {  	s9 =	sor.u32 $0xD0000000, s2;
	s6 =	simm.s32 $0x108;
	_ =	swait.ge @!p0 [sflag:s8], $0x0  }
0x24: {  	s3 =	sadd.s32 $0x88, s3;
	s6 =	simm.s32 @!p1 $0x1082;
	[sflag:s4] =	ssyncset.s32 $0xFFFFF086  }
0x25: {  	[simem:s6], [sflag:s4] =	dma.local [hbm:s3], $0xF7A  }
0x26: {  	[smem:$0x3F9E] =	sst s1;
	(tag) =	ssettag s2;
	_ =	strace s9  }
0x27: {  	s1 =	sld [smem:$0x3FAE]  }
0x28: {  	s2 =	sld [smem:$0x3FAF]  }
0x29: {  	s4 =	sld [smem:$0x3FB1]  }
0x2a: {  	p0 =	seq.s32 s5, $0x0;
	s5 =	sld [smem:$0x3FB2]  }
0x2b: {  	s6 =	sld [smem:$0x3FB3]  }
0x2c: {  	s7 =	sld [smem:$0x3FB4]  }
0x2d: {  	s3 =	simm.s32 $0x108;
	s8 =	sld [smem:$0x3FB5]  }
0x2e: {  	s3 =	simm.s32 @!p0 $0x1082;
	s9 =	sld [smem:$0x3FB6]  }
0x2f: {  	lr =	sadd.s32 s0, s3;
	s0 =	sld [smem:$0x3FAD]  }
0x30: {  	s3 =	sld [smem:$0x3FB0]  }
0x31: {  	[smem:$0x3FB9] =	sst s10  }
0x32: {  	s10 =	sld [smem:$0x3FB7];
	_ =	sdelay $0x3  }
0x33: {  	p0 =	seq.s32 s10, $0x1;
	s10 =	sld [smem:$0x3FB9];
	_ =	sdelay $0x3  }
0x34: {  	[smem:$0x3FB9] =	sst s10  }
0x35: {  	s10 =	sld [smem:$0x3FB8];
	_ =	sdelay $0x3  }
0x36: {  	p1 =	seq.s32 s10, $0x1;
	s10 =	sld [smem:$0x3FB9];
	_ =	sdelay $0x3  }
0x37: {  	[smem:$0x3FB9] =	sst s10  }
0x38: {  	s10 =	sld [smem:$0x3FBA]  }
0x39: {  	_ = 	snop;
	(pc) =	sbr.ind lr, $3  }
0x3a: {  	_ = 	snop  }
0x3b: {  	_ = 	snop  }
0x3c: {  	p2 =	seq.s32 s10, $0x1;
	s10 =	sld [smem:$0x3FB9]  }
0x3d: {  	_ =	shalt  }
0x3e: {  	_ =	shalt  }
0x3f: {  	_ =	shalt  }
0x40: {  	_ =	shalt  }
0x41: {  	_ =	shalt  }
0x42: {  	_ =	shalt  }
0x43: {  	_ =	shalt  }
0x44: {  	_ =	shalt  }
0x45: {  	_ =	shalt  }
0x46: {  	_ =	shalt  }
0x47: {  	_ =	shalt  }
0x48: {  	_ =	shalt  }
0x49: {  	_ =	shalt  }
0x4a: {  	_ =	shalt  }
0x4b: {  	_ =	shalt  }
0x4c: {  	_ =	shalt  }
0x4d: {  	_ =	shalt  }
0x4e: {  	_ =	shalt  }
0x4f: {  	_ =	shalt  }
0x50: {  	_ =	shalt  }
0x51: {  	_ =	shalt  }
0x52: {  	_ =	shalt  }
0x53: {  	_ =	shalt  }
0x54: {  	_ =	shalt  }
0x55: {  	_ =	shalt  }
0x56: {  	_ =	shalt  }
0x57: {  	_ =	shalt  }
0x58: {  	_ =	shalt  }
0x59: {  	_ =	shalt  }
0x5a: {  	_ =	shalt  }
0x5b: {  	_ =	shalt  }
0x5c: {  	_ =	shalt  }
0x5d: {  	_ =	shalt  }
0x5e: {  	_ =	shalt  }
0x5f: {  	_ =	shalt  }
0x60: {  	_ =	shalt  }
0x61: {  	_ =	shalt  }
0x62: {  	_ =	shalt  }
0x63: {  	_ =	shalt  }
0x64: {  	_ =	shalt  }
0x65: {  	_ =	shalt  }
0x66: {  	_ =	shalt  }
0x67: {  	_ =	shalt  }
0x68: {  	_ =	shalt  }
0x69: {  	_ =	shalt  }
0x6a: {  	_ =	shalt  }
0x6b: {  	_ =	shalt  }
0x6c: {  	_ =	shalt  }
0x6d: {  	_ =	shalt  }
0x6e: {  	_ =	shalt  }
0x6f: {  	_ =	shalt  }
0x70: {  	_ =	shalt  }
0x71: {  	_ =	shalt  }
0x72: {  	_ =	shalt  }
0x73: {  	_ =	shalt  }
0x74: {  	_ =	shalt  }
0x75: {  	_ =	shalt  }
0x76: {  	_ =	shalt  }
0x77: {  	_ =	shalt  }
0x78: {  	_ =	shalt  }
0x79: {  	_ =	shalt  }
0x7a: {  	_ =	shalt  }
0x7b: {  	_ =	shalt  }
0x7c: {  	_ =	shalt  }
0x7d: {  	_ =	shalt  }
0x7e: {  	_ =	shalt  }
0x7f: {  	_ =	shalt  }
0x80: {  	_ =	shalt  }
0x81: {  	_ =	shalt  }
0x82: {  	_ =	shalt  }
0x83: {  	_ =	shalt  }
0x84: {  	_ =	shalt  }
0x85: {  	_ =	shalt  }
0x86: {  	_ =	shalt  }
0x87: {  	_ =	shalt  }
.Lfunc_end0:
.L_simem_size_0:
called_computation_lowered:
.L_overlay_start_0:
0x88: {  	s2 =	sld [smem:$0x3FD9]  }
0x89: {  	s3 =	sld [smem:$0x3FFE];
	_ =	sdelay $0x1  }
0x8a: {  	s1 =	srdreg.scid  }
0x8b: {  	s0 =	sand.u32 $0x1, s1  }
0x8c: {  	s17 =	sshll.u32 s0, $0xA;
	s2 =	sadd.s32 s3, s2  }
0x8d: {  	s2 =	sadd.s32 s2, s17  }
0x8e: {  	[smem:$0x3FC5] =	sst s2  }
0x8f: {  	_ = 	snop  }
0x90: {  	s2 =	sld [smem:$0x3FD0];
	(tm) =	ssettm $0x1  }
0x91: {  	s18 =	sld [smem:$0x3FFB];
	_ =	sdelay $0x3  }
0x92: {  	_ =	strace s18  }
0x93: {  	s3 =	sld [smem:$0x3FFC];
	_ =	sdelay $0x3  }
0x94: {  	_ =	strace s3  }
0x95: {  	s3 =	sld [smem:$0x3FFD];
	_ =	sdelay $0x3  }
0x96: {  	_ =	strace s3  }
0x97: {  	_ =	strace $0x8FFFFFFF  }
0x98: {  	s19 =	sld [smem:$0x3FDB];
	_ =	sdelay $0x1  }
0x99: {  	s4 =	simm.s32 $_scs_section_size  }
0x9a: {  	s5 =	simm.s32 $_size__tile_overlayer_lowered;
	s6 =	simm.s32 $_tile_overlayer_lowered  }
0x9b: {  	s22 =	simm.s32 $0x1BFF;
	s21 =	sshll.u32 s6, $0x1;
	s3 =	sadd.s32 s4, s19  }
0x9c: {  	s7 =	simm.s32 $0x0;
	s20 =	sshll.u32 s5, $0x1;
	s5 =	sadd.s32 s21, s3  }
0x9d: {  	[timem:s7], [sflag:s22] =	dma.local [hbm:s5], s20  }
0x9e: {  	_ =	swait.ge [sflag:s22], s20  }
0x9f: {  	s4 =	ssub.s32 $0x0, s20;
	[sflag:s22] =	ssyncset.done $0x0  }
0xa0: {  	[sflag:s22] =	ssyncadd.s32 s4;
	_ =	sdelay $0x1  }
0xa1: {  	s23 =	simm.s32 $0x1B8B  }
0xa2: {  	_ =	swait.ge [sflag:s23], $0x1  }
0xa3: {  	[sflag:s23] =	ssyncset.done $0x0  }
0xa4: {  	s25 =	simm.s32 $0x1B8E;
	s24 =	sld [smem:$0x3FFE];
	[sflag:s23] =	ssyncadd.s32 $0xFFFFFFFF  }
0xa5: {  	s26 =	simm.s32 $execute0_lowered;
	[smem:$0x3FD2] =	sst s25  }
0xa6: {  	s5 =	sshll.u32 s26, $0x1;
	_ =	strace $0x80000046;
	[dreg:$0x1] =	wrdreg $0xFFFFFFFF  }
0xa7: {  	s28 =	simm.s32 $_size_execute0_lowered;
	s3 =	sadd.s32 s3, s5;
	[dreg:$0x0] =	wrdreg $0x0  }
0xa8: {  	s5 =	sshll.u32 s28, $0x1;
	[dreg:$0x2] =	wrdreg s3  }
0xa9: {  	[dreg:$0x3] =	wrdreg s5  }
0xaa: {  	[dreg:$0x4] =	wrdreg $0xC0  }
0xab: {  	_ =	task [dreg:s7], $0x5FFFF  }
0xac: {  	[dreg:$0x1] =	wrdreg $0xFFFFFFFF  }
0xad: {  	[dreg:$0x0] =	wrdreg $0x60  }
0xae: {  	[dreg:$0x2] =	wrdreg s24  }
0xaf: {  	[dreg:$0x3] =	wrdreg s2  }
0xb0: {  	[dreg:$0x4] =	wrdreg $0x9  }
0xb1: {  	_ =	task.clear_ibuf [dreg:s7], $0x5FFFF;
	_ =	strace $0x90000046  }
0xb2: {  	s29 =	simm.s32 $0x9;
	_ =	strace $0x80000048  }
0xb3: {  	_ =	swait.ge [sflag:s29], $0x1  }
0xb4: {  	[sflag:s29] =	ssyncadd.s32 $0xFFFFFFFF  }
0xb5: {  	_ =	strace $0x90000048  }
0xb6: {  	_ =	sfence  }
0xb7: {  	s30 =	sld [smem:$0x0];
	_ =	sdelay $0x2  }
0xb8: {  	s31 =	sshll.u32 s1, $0xD;
	s1 =	sshrl.u32 s1, $0x2  }
0xb9: {  	s3 =	sand.u32 $0x4000, s31;
	s1 =	sadd.s32 s1, s30  }
0xba: {  	s0 =	sor.u32 s3, s0;
	s1 =	sshll.u32 s1, $0x11  }
0xbb: {  	s0 =	sor.u32 s1, s0  }
0xbc: {  	s0 =	sadd.s32 $0x8F2B, s0  }
0xbd: {  	[sflag:s0] =	ssyncadd.remote.s32 $0x1  }
0xbe: {  	_ =	sfence.sel $0xFFFF  }
0xbf: {  	[dreg:$0x0] =	wrdreg $0xFFFFFFFF;
	(pc) =	sbr.abs _section_cstart, $3  }
0xc0: {  	[dreg:$0x1] =	wrdreg $0xFFFFFFFF  }
0xc1: {  	_ =	task.clear_ibuf [dreg:s7], $0x2FFFF;
	_ =	strace $0x9FFFFFFF  }
0xc2: {  	(tm) =	ssettm $0x7FFFFFFF  }
0xc3: {  	_ =	shalt  }
tec
execute0_lowered:
.L_overlay_start_1:
0x0: {  	(tag) =	ssettag $0x1  }
0x1: {  	s0 =	rddreg [dreg:$0x0];
	s1 =	srdreg.scid  }
0x2: {  	s2 =	stileid.u32;
	s3 =	rddreg [dreg:$0x1];
	s31 =	simm.s32 $0x5  }
0x3: {  	s9 =	simm.s32 $0x80;
	s10 =	simm.s32 $0x800;
	s13 =	simm.s32 $0x1  }
0x4: {  	s8 =	simm.s32 $0x4800;
	s11 =	simm.s32 $0x2;
	s7 =	simm.s32 $0x3  }
0x5: {  	s30 =	simm.s32 $0x100;
	s1 =	sand.u32 $0x1, s1;
	s4 =	sshll.u32 s2, $0x1  }
0x6: {  	s29 =	simm.s32 $0x180;
	s28 =	simm.s32 $0x200;
	s4 =	sor.u32 s1, s4  }
0x7: {  	s2 =	simm.s32 $0x0;
	s5 =	sshll.u32 s4, $0xF;
	s4 =	sshll.u32 s4, $0x8  }
0x8: {  	[smem:$0x7FF] =	sst s2;
	s6 =	sadd.s32 s5, s0;
	s3 =	sadd.s32 s3, s4  }
0x9: {  	_ =	strace $0x80000047;
	[dreg:$0x3] =	wrdreg s3;
	s15 =	sadd.s32 $0x20400, s6  }
0xa: {  	p0 =	por $0x0, $0x0;
	s16 =	sadd.s32 $0x20C00, s6;
	[dreg:$0x4] =	wrdreg s15  }
0xb: {  	s1 =	ssub.s32 $0x2, s1;
	s17 =	sadd.s32 $0x21400, s6;
	[dreg:$0x5] =	wrdreg s16  }
0xc: {  	s24 =	sshrl.u32 s1, $0x1;
	s18 =	sadd.s32 $0x21C00, s6;
	[dreg:$0x6] =	wrdreg s17  }
0xd: {  	s1 =	ssub.s32 s1, s24;
	s19 =	sadd.s32 $0x22400, s6;
	[dreg:$0x7] =	wrdreg s18  }
0xe: {  	s24 =	simm.s32 $0x380;
	s20 =	sadd.s32 $0x22C00, s6;
	[dreg:$0x8] =	wrdreg s19  }
0xf: {  	s21 =	sadd.s32 $0x23400, s6;
	s3 =	sadd.s32 $0x400, s0;
	[dreg:$0x9] =	wrdreg s20  }
0x10: {  	s22 =	sadd.s32 $0x23C00, s6;
	s23 =	sadd.s32 $0x24400, s6;
	[dreg:$0xa] =	wrdreg s21  }
0x11: {  	s25 =	sadd.s32 $0x24C00, s6;
	s26 =	sadd.s32 $0x25400, s6;
	[dreg:$0xb] =	wrdreg s22  }
0x12: {  	s1 =	smax.u32 s1, $0x1;
	s14 =	sadd.s32 $0x26400, s6;
	[dreg:$0xc] =	wrdreg s23  }
0x13: {  	s12 =	sadd.s32 $0x26C00, s6;
	s5 =	sadd.s32 $0x27400, s6;
	[dreg:$0xd] =	wrdreg s25  }
0x14: {  	s4 =	sadd.s32 $0x27C00, s6;
	[dreg:$0xe] =	wrdreg s26;
	p1 =	sne.s32 s1, $0x1  }
.Ltmp0:
0x15: {  	s15 =	sadd.s32 $0x25C00, s6;
	s6 =	simm.s32 $0x4;
	(pc) =	sbr.rel @!p1 .LBB2_3-.Ltmp0, $4  }
0x16: {  	s26 =	simm.s32 $0x280;
	s25 =	simm.s32 $0x300;
	s23 =	simm.s32 $0x400  }
0x17: {  	s22 =	simm.s32 $0x480;
	s1 =	sadd.s32 $0xFFFFFFFF, s1;
	s21 =	simm.s32 $0x500  }
0x18: {  	s20 =	simm.s32 $0x580;
	s19 =	simm.s32 $0x600;
	s18 =	simm.s32 $0x680  }
0x19: {  	s17 =	simm.s32 $0x700;
	s16 =	simm.s32 $0x780;
	s0 =	rddreg [dreg:$0x3]  }
0x1a: {  	[tilespmem:s2], [sflag:$0x5] =	stream.linear.gather [hbm4b:s0+s2], $0x800, $0x38;
	[tilespmem:$0x8800] =	vst v63  }
0x1b: {  	_ =	swait.ge [sflag:s31], $0x800  }
0x1c: {  	[sflag:s31] =	ssyncset.done $0x0  }
0x1d: {  	[sflag:s31] =	ssyncadd.s32 $0xFFFFF800  }
0x1e: {  	[tilespmem:s10], [sflag:$0x1] =	stream.indirect.gather [hbm4b:s3+s9], $0x80, s2, s9, $0xb8;
	[tilespmem:$0x8800] =	vst v63  }
0x1f: {  	_ =	swait.ge [sflag:s13], $0x4000  }
0x20: {  	[sflag:s13] =	ssyncset.done $0x0  }
0x21: {  	[sflag:s13] =	ssyncadd.s32 $0xFFFFC000  }
0x22: {  	[tilespmem:s8], [sflag:$0x2] =	stream.indirect.gather [hbm4b:s3+s9], $0x80, s9, s9, $0xb8;
	[tilespmem:$0x8800] =	vst v63  }
0x23: {  	s0 =	rddreg [dreg:$0x4]  }
0x24: {  	[hbm4b:s0+s2] =	stream.linear.scatter [tilespmem:s10], [sflag:$0x3], $0x4000, $0x38;
	[tilespmem:$0x8800] =	vst v63  }
0x25: {  	_ =	swait.ge [sflag:s11], $0x4000  }
0x26: {  	[sflag:s11] =	ssyncset.done $0x0  }
0x27: {  	[sflag:s11] =	ssyncadd.s32 $0xFFFFC000  }
0x28: {  	_ =	swait.ge [sflag:s7], $0x4000  }
0x29: {  	[sflag:s7] =	ssyncset.done $0x0  }
0x2a: {  	[sflag:s7] =	ssyncadd.s32 $0xFFFFC000  }
0x2b: {  	[tilespmem:s10], [sflag:$0x1] =	stream.indirect.gather [hbm4b:s3+s9], $0x80, s30, s9, $0xb8;
	[tilespmem:$0x8800] =	vst v63  }
0x2c: {  	s0 =	rddreg [dreg:$0x5]  }
0x2d: {  	[hbm4b:s0+s2] =	stream.linear.scatter [tilespmem:s8], [sflag:$0x4], $0x4000, $0x38;
	[tilespmem:$0x8800] =	vst v63  }
0x2e: {  	_ =	swait.ge [sflag:s13], $0x4000  }
0x2f: {  	[sflag:s13] =	ssyncset.done $0x0  }
0x30: {  	[sflag:s13] =	ssyncadd.s32 $0xFFFFC000  }
0x31: {  	_ =	swait.ge [sflag:s6], $0x4000  }
0x32: {  	[sflag:s6] =	ssyncset.done $0x0  }
0x33: {  	[sflag:s6] =	ssyncadd.s32 $0xFFFFC000  }
0x34: {  	[tilespmem:s8], [sflag:$0x2] =	stream.indirect.gather [hbm4b:s3+s9], $0x80, s29, s9, $0xb8;
	[tilespmem:$0x8800] =	vst v63  }
0x35: {  	s0 =	rddreg [dreg:$0x6]  }
0x36: {  	[hbm4b:s0+s2] =	stream.linear.scatter [tilespmem:s10], [sflag:$0x3], $0x4000, $0x38;
	[tilespmem:$0x8800] =	vst v63  }
0x37: {  	_ =	swait.ge [sflag:s11], $0x4000  }
0x38: {  	[sflag:s11] =	ssyncset.done $0x0  }
0x39: {  	[sflag:s11] =	ssyncadd.s32 $0xFFFFC000  }
0x3a: {  	_ =	swait.ge [sflag:s7], $0x4000  }
0x3b: {  	[sflag:s7] =	ssyncset.done $0x0  }
0x3c: {  	[sflag:s7] =	ssyncadd.s32 $0xFFFFC000  }
0x3d: {  	[tilespmem:s10], [sflag:$0x1] =	stream.indirect.gather [hbm4b:s3+s9], $0x80, s28, s9, $0xb8;
	[tilespmem:$0x8800] =	vst v63  }
0x3e: {  	s0 =	rddreg [dreg:$0x7]  }
0x3f: {  	[hbm4b:s0+s2] =	stream.linear.scatter [tilespmem:s8], [sflag:$0x4], $0x4000, $0x38;
	[tilespmem:$0x8800] =	vst v63  }
0x40: {  	_ =	swait.ge [sflag:s13], $0x4000  }
0x41: {  	[sflag:s13] =	ssyncset.done $0x0  }
0x42: {  	[sflag:s13] =	ssyncadd.s32 $0xFFFFC000  }
0x43: {  	_ =	swait.ge [sflag:s6], $0x4000  }
0x44: {  	[sflag:s6] =	ssyncset.done $0x0  }
0x45: {  	[sflag:s6] =	ssyncadd.s32 $0xFFFFC000  }
0x46: {  	[tilespmem:s8], [sflag:$0x2] =	stream.indirect.gather [hbm4b:s3+s9], $0x80, s26, s9, $0xb8;
	[tilespmem:$0x8800] =	vst v63  }
0x47: {  	s0 =	rddreg [dreg:$0x8]  }
0x48: {  	[hbm4b:s0+s2] =	stream.linear.scatter [tilespmem:s10], [sflag:$0x3], $0x4000, $0x38;
	[tilespmem:$0x8800] =	vst v63  }
0x49: {  	_ =	swait.ge [sflag:s11], $0x4000  }
0x4a: {  	[sflag:s11] =	ssyncset.done $0x0  }
0x4b: {  	[sflag:s11] =	ssyncadd.s32 $0xFFFFC000  }
0x4c: {  	_ =	swait.ge [sflag:s7], $0x4000  }
0x4d: {  	[sflag:s7] =	ssyncset.done $0x0  }
0x4e: {  	[sflag:s7] =	ssyncadd.s32 $0xFFFFC000  }
0x4f: {  	[tilespmem:s10], [sflag:$0x1] =	stream.indirect.gather [hbm4b:s3+s9], $0x80, s25, s9, $0xb8;
	[tilespmem:$0x8800] =	vst v63  }
0x50: {  	s0 =	rddreg [dreg:$0x9]  }
0x51: {  	[hbm4b:s0+s2] =	stream.linear.scatter [tilespmem:s8], [sflag:$0x4], $0x4000, $0x38;
	[tilespmem:$0x8800] =	vst v63  }
0x52: {  	_ =	swait.ge [sflag:s13], $0x4000  }
0x53: {  	[sflag:s13] =	ssyncset.done $0x0  }
0x54: {  	[sflag:s13] =	ssyncadd.s32 $0xFFFFC000  }
0x55: {  	_ =	swait.ge [sflag:s6], $0x4000  }
0x56: {  	[sflag:s6] =	ssyncset.done $0x0  }
0x57: {  	[sflag:s6] =	ssyncadd.s32 $0xFFFFC000  }
0x58: {  	[tilespmem:s8], [sflag:$0x2] =	stream.indirect.gather [hbm4b:s3+s9], $0x80, s24, s9, $0xb8;
	[tilespmem:$0x8800] =	vst v63  }
0x59: {  	s0 =	rddreg [dreg:$0xa]  }
0x5a: {  	[hbm4b:s0+s2] =	stream.linear.scatter [tilespmem:s10], [sflag:$0x3], $0x4000, $0x38;
	[tilespmem:$0x8800] =	vst v63  }
0x5b: {  	_ =	swait.ge [sflag:s11], $0x4000  }
0x5c: {  	[sflag:s11] =	ssyncset.done $0x0  }
0x5d: {  	[sflag:s11] =	ssyncadd.s32 $0xFFFFC000  }
0x5e: {  	_ =	swait.ge [sflag:s7], $0x4000  }
0x5f: {  	[sflag:s7] =	ssyncset.done $0x0  }
0x60: {  	[sflag:s7] =	ssyncadd.s32 $0xFFFFC000  }
0x61: {  	[tilespmem:s10], [sflag:$0x1] =	stream.indirect.gather [hbm4b:s3+s9], $0x80, s23, s9, $0xb8;
	[tilespmem:$0x8800] =	vst v63  }
0x62: {  	s0 =	rddreg [dreg:$0xb]  }
0x63: {  	[hbm4b:s0+s2] =	stream.linear.scatter [tilespmem:s8], [sflag:$0x4], $0x4000, $0x38;
	[tilespmem:$0x8800] =	vst v63  }
0x64: {  	_ =	swait.ge [sflag:s13], $0x4000  }
0x65: {  	[sflag:s13] =	ssyncset.done $0x0  }
0x66: {  	[sflag:s13] =	ssyncadd.s32 $0xFFFFC000  }
0x67: {  	_ =	swait.ge [sflag:s6], $0x4000  }
0x68: {  	[sflag:s6] =	ssyncset.done $0x0  }
0x69: {  	[sflag:s6] =	ssyncadd.s32 $0xFFFFC000  }
0x6a: {  	[tilespmem:s8], [sflag:$0x2] =	stream.indirect.gather [hbm4b:s3+s9], $0x80, s22, s9, $0xb8;
	[tilespmem:$0x8800] =	vst v63  }
0x6b: {  	s0 =	rddreg [dreg:$0xc]  }
0x6c: {  	[hbm4b:s0+s2] =	stream.linear.scatter [tilespmem:s10], [sflag:$0x3], $0x4000, $0x38;
	[tilespmem:$0x8800] =	vst v63  }
0x6d: {  	_ =	swait.ge [sflag:s11], $0x4000  }
0x6e: {  	[sflag:s11] =	ssyncset.done $0x0  }
0x6f: {  	[sflag:s11] =	ssyncadd.s32 $0xFFFFC000  }
0x70: {  	_ =	swait.ge [sflag:s7], $0x4000  }
0x71: {  	[sflag:s7] =	ssyncset.done $0x0  }
0x72: {  	[sflag:s7] =	ssyncadd.s32 $0xFFFFC000  }
0x73: {  	[tilespmem:s10], [sflag:$0x1] =	stream.indirect.gather [hbm4b:s3+s9], $0x80, s21, s9, $0xb8;
	[tilespmem:$0x8800] =	vst v63  }
0x74: {  	s0 =	rddreg [dreg:$0xd]  }
0x75: {  	[hbm4b:s0+s2] =	stream.linear.scatter [tilespmem:s8], [sflag:$0x4], $0x4000, $0x38;
	[tilespmem:$0x8800] =	vst v63  }
0x76: {  	_ =	swait.ge [sflag:s13], $0x4000  }
0x77: {  	[sflag:s13] =	ssyncset.done $0x0  }
0x78: {  	[sflag:s13] =	ssyncadd.s32 $0xFFFFC000  }
0x79: {  	_ =	swait.ge [sflag:s6], $0x4000  }
0x7a: {  	[sflag:s6] =	ssyncset.done $0x0  }
0x7b: {  	[sflag:s6] =	ssyncadd.s32 $0xFFFFC000  }
0x7c: {  	[tilespmem:s8], [sflag:$0x2] =	stream.indirect.gather [hbm4b:s3+s9], $0x80, s20, s9, $0xb8;
	[tilespmem:$0x8800] =	vst v63  }
0x7d: {  	s0 =	rddreg [dreg:$0xe]  }
0x7e: {  	[hbm4b:s0+s2] =	stream.linear.scatter [tilespmem:s10], [sflag:$0x3], $0x4000, $0x38;
	[tilespmem:$0x8800] =	vst v63  }
0x7f: {  	_ =	swait.ge [sflag:s11], $0x4000  }
0x80: {  	[sflag:s11] =	ssyncset.done $0x0  }
0x81: {  	[sflag:s11] =	ssyncadd.s32 $0xFFFFC000  }
0x82: {  	_ =	swait.ge [sflag:s7], $0x4000  }
0x83: {  	[sflag:s7] =	ssyncset.done $0x0  }
0x84: {  	[sflag:s7] =	ssyncadd.s32 $0xFFFFC000  }
0x85: {  	[tilespmem:s10], [sflag:$0x1] =	stream.indirect.gather [hbm4b:s3+s9], $0x80, s19, s9, $0xb8;
	[tilespmem:$0x8800] =	vst v63  }
0x86: {  	_ = 	snop  }
0x87: {  	[hbm4b:s15+s2] =	stream.linear.scatter [tilespmem:s8], [sflag:$0x4], $0x4000, $0x38;
	[tilespmem:$0x8800] =	vst v63  }
0x88: {  	_ =	swait.ge [sflag:s13], $0x4000  }
0x89: {  	[sflag:s13] =	ssyncset.done $0x0  }
0x8a: {  	[sflag:s13] =	ssyncadd.s32 $0xFFFFC000  }
0x8b: {  	_ =	swait.ge [sflag:s6], $0x4000  }
0x8c: {  	[sflag:s6] =	ssyncset.done $0x0  }
0x8d: {  	[sflag:s6] =	ssyncadd.s32 $0xFFFFC000  }
0x8e: {  	[tilespmem:s8], [sflag:$0x2] =	stream.indirect.gather [hbm4b:s3+s9], $0x80, s18, s9, $0xb8;
	[tilespmem:$0x8800] =	vst v63  }
0x8f: {  	_ = 	snop  }
0x90: {  	[hbm4b:s14+s2] =	stream.linear.scatter [tilespmem:s10], [sflag:$0x3], $0x4000, $0x38;
	[tilespmem:$0x8800] =	vst v63  }
0x91: {  	_ =	swait.ge [sflag:s11], $0x4000  }
0x92: {  	[sflag:s11] =	ssyncset.done $0x0  }
0x93: {  	[sflag:s11] =	ssyncadd.s32 $0xFFFFC000  }
0x94: {  	_ =	swait.ge [sflag:s7], $0x4000  }
0x95: {  	[sflag:s7] =	ssyncset.done $0x0  }
0x96: {  	[sflag:s7] =	ssyncadd.s32 $0xFFFFC000  }
0x97: {  	[tilespmem:s10], [sflag:$0x1] =	stream.indirect.gather [hbm4b:s3+s9], $0x80, s17, s9, $0xb8;
	[tilespmem:$0x8800] =	vst v63  }
0x98: {  	_ = 	snop  }
0x99: {  	[hbm4b:s12+s2] =	stream.linear.scatter [tilespmem:s8], [sflag:$0x4], $0x4000, $0x38;
	[tilespmem:$0x8800] =	vst v63  }
0x9a: {  	_ =	swait.ge [sflag:s13], $0x4000  }
0x9b: {  	[sflag:s13] =	ssyncset.done $0x0  }
0x9c: {  	[sflag:s13] =	ssyncadd.s32 $0xFFFFC000  }
0x9d: {  	_ =	swait.ge [sflag:s6], $0x4000  }
0x9e: {  	[sflag:s6] =	ssyncset.done $0x0  }
0x9f: {  	[sflag:s6] =	ssyncadd.s32 $0xFFFFC000  }
0xa0: {  	[tilespmem:s8], [sflag:$0x2] =	stream.indirect.gather [hbm4b:s3+s9], $0x80, s16, s9, $0xb8;
	[tilespmem:$0x8800] =	vst v63  }
0xa1: {  	_ = 	snop  }
0xa2: {  	[hbm4b:s5+s2] =	stream.linear.scatter [tilespmem:s10], [sflag:$0x3], $0x4000, $0x38;
	[tilespmem:$0x8800] =	vst v63  }
0xa3: {  	_ =	swait.ge [sflag:s11], $0x4000  }
0xa4: {  	[sflag:s11] =	ssyncset.done $0x0  }
0xa5: {  	p1 =	sne.s32 s1, $0x1;
	[sflag:s11] =	ssyncadd.s32 $0xFFFFC000  }
0xa6: {  	[hbm4b:s4+s2] =	stream.linear.scatter [tilespmem:s8], [sflag:$0x4], $0x4000, $0x38;
	[tilespmem:$0x8800] =	vst v63  }
.Ltmp1:
0xa7: {  	_ =	swait.ge [sflag:s7], $0x4000;
	(pc) =	sbr.rel @!p1 .LBB2_3-.Ltmp1, $4  }
0xa8: {  	[sflag:s7] =	ssyncset.done $0x0  }
0xa9: {  	[sflag:s7] =	ssyncadd.s32 $0xFFFFC000  }
0xaa: {  	s1 =	sadd.s32 $0xFFFFFFFF, s1;
	_ =	swait.ge [sflag:s6], $0x4000  }
0xab: {  	p0 =	por $0x1, $0x1;
	s0 =	rddreg [dreg:$0x3];
	[sflag:s6] =	ssyncset.done $0x0  }
.LBB2_2:
0xac: {  	[sflag:s6] =	ssyncadd.s32 $0xFFFFC000  }
0xad: {  	[tilespmem:s2], [sflag:$0x5] =	stream.linear.gather [hbm4b:s0+s2], $0x800, $0x38;
	[tilespmem:$0x8800] =	vst v63  }
0xae: {  	_ =	swait.ge [sflag:s31], $0x800  }
0xaf: {  	[sflag:s31] =	ssyncset.done $0x0  }
0xb0: {  	[sflag:s31] =	ssyncadd.s32 $0xFFFFF800  }
0xb1: {  	[tilespmem:s10], [sflag:$0x1] =	stream.indirect.gather [hbm4b:s3+s9], $0x80, s2, s9, $0xb8;
	[tilespmem:$0x8800] =	vst v63  }
0xb2: {  	_ =	swait.ge [sflag:s13], $0x4000  }
0xb3: {  	[sflag:s13] =	ssyncset.done $0x0  }
0xb4: {  	[sflag:s13] =	ssyncadd.s32 $0xFFFFC000  }
0xb5: {  	[tilespmem:s8], [sflag:$0x2] =	stream.indirect.gather [hbm4b:s3+s9], $0x80, s9, s9, $0xb8;
	[tilespmem:$0x8800] =	vst v63  }
0xb6: {  	s0 =	rddreg [dreg:$0x4]  }
0xb7: {  	[hbm4b:s0+s2] =	stream.linear.scatter [tilespmem:s10], [sflag:$0x3], $0x4000, $0x38;
	[tilespmem:$0x8800] =	vst v63  }
0xb8: {  	_ =	swait.ge [sflag:s11], $0x4000  }
0xb9: {  	[sflag:s11] =	ssyncset.done $0x0  }
0xba: {  	[sflag:s11] =	ssyncadd.s32 $0xFFFFC000  }
0xbb: {  	_ =	swait.ge [sflag:s7], $0x4000  }
0xbc: {  	[sflag:s7] =	ssyncset.done $0x0  }
0xbd: {  	[sflag:s7] =	ssyncadd.s32 $0xFFFFC000  }
0xbe: {  	[tilespmem:s10], [sflag:$0x1] =	stream.indirect.gather [hbm4b:s3+s9], $0x80, s30, s9, $0xb8;
	[tilespmem:$0x8800] =	vst v63  }
0xbf: {  	s0 =	rddreg [dreg:$0x5]  }
0xc0: {  	[hbm4b:s0+s2] =	stream.linear.scatter [tilespmem:s8], [sflag:$0x4], $0x4000, $0x38;
	[tilespmem:$0x8800] =	vst v63  }
0xc1: {  	_ =	swait.ge [sflag:s13], $0x4000  }
0xc2: {  	[sflag:s13] =	ssyncset.done $0x0  }
0xc3: {  	[sflag:s13] =	ssyncadd.s32 $0xFFFFC000  }
0xc4: {  	_ =	swait.ge [sflag:s6], $0x4000  }
0xc5: {  	[sflag:s6] =	ssyncset.done $0x0  }
0xc6: {  	[sflag:s6] =	ssyncadd.s32 $0xFFFFC000  }
0xc7: {  	[tilespmem:s8], [sflag:$0x2] =	stream.indirect.gather [hbm4b:s3+s9], $0x80, s29, s9, $0xb8;
	[tilespmem:$0x8800] =	vst v63  }
0xc8: {  	s0 =	rddreg [dreg:$0x6]  }
0xc9: {  	[hbm4b:s0+s2] =	stream.linear.scatter [tilespmem:s10], [sflag:$0x3], $0x4000, $0x38;
	[tilespmem:$0x8800] =	vst v63  }
0xca: {  	_ =	swait.ge [sflag:s11], $0x4000  }
0xcb: {  	[sflag:s11] =	ssyncset.done $0x0  }
0xcc: {  	[sflag:s11] =	ssyncadd.s32 $0xFFFFC000  }
0xcd: {  	_ =	swait.ge [sflag:s7], $0x4000  }
0xce: {  	[sflag:s7] =	ssyncset.done $0x0  }
0xcf: {  	[sflag:s7] =	ssyncadd.s32 $0xFFFFC000  }
0xd0: {  	[tilespmem:s10], [sflag:$0x1] =	stream.indirect.gather [hbm4b:s3+s9], $0x80, s28, s9, $0xb8;
	[tilespmem:$0x8800] =	vst v63  }
0xd1: {  	s0 =	rddreg [dreg:$0x7]  }
0xd2: {  	[hbm4b:s0+s2] =	stream.linear.scatter [tilespmem:s8], [sflag:$0x4], $0x4000, $0x38;
	[tilespmem:$0x8800] =	vst v63  }
0xd3: {  	_ =	swait.ge [sflag:s13], $0x4000  }
0xd4: {  	[sflag:s13] =	ssyncset.done $0x0  }
0xd5: {  	[sflag:s13] =	ssyncadd.s32 $0xFFFFC000  }
0xd6: {  	_ =	swait.ge [sflag:s6], $0x4000  }
0xd7: {  	[sflag:s6] =	ssyncset.done $0x0  }
0xd8: {  	[sflag:s6] =	ssyncadd.s32 $0xFFFFC000  }
0xd9: {  	[tilespmem:s8], [sflag:$0x2] =	stream.indirect.gather [hbm4b:s3+s9], $0x80, s26, s9, $0xb8;
	[tilespmem:$0x8800] =	vst v63  }
0xda: {  	s0 =	rddreg [dreg:$0x8]  }
0xdb: {  	[hbm4b:s0+s2] =	stream.linear.scatter [tilespmem:s10], [sflag:$0x3], $0x4000, $0x38;
	[tilespmem:$0x8800] =	vst v63  }
0xdc: {  	_ =	swait.ge [sflag:s11], $0x4000  }
0xdd: {  	[sflag:s11] =	ssyncset.done $0x0  }
0xde: {  	[sflag:s11] =	ssyncadd.s32 $0xFFFFC000  }
0xdf: {  	_ =	swait.ge [sflag:s7], $0x4000  }
0xe0: {  	[sflag:s7] =	ssyncset.done $0x0  }
0xe1: {  	[sflag:s7] =	ssyncadd.s32 $0xFFFFC000  }
0xe2: {  	[tilespmem:s10], [sflag:$0x1] =	stream.indirect.gather [hbm4b:s3+s9], $0x80, s25, s9, $0xb8;
	[tilespmem:$0x8800] =	vst v63  }
0xe3: {  	s0 =	rddreg [dreg:$0x9]  }
0xe4: {  	[hbm4b:s0+s2] =	stream.linear.scatter [tilespmem:s8], [sflag:$0x4], $0x4000, $0x38;
	[tilespmem:$0x8800] =	vst v63  }
0xe5: {  	_ =	swait.ge [sflag:s13], $0x4000  }
0xe6: {  	[sflag:s13] =	ssyncset.done $0x0  }
0xe7: {  	[sflag:s13] =	ssyncadd.s32 $0xFFFFC000  }
0xe8: {  	_ =	swait.ge [sflag:s6], $0x4000  }
0xe9: {  	[sflag:s6] =	ssyncset.done $0x0  }
0xea: {  	[sflag:s6] =	ssyncadd.s32 $0xFFFFC000  }
0xeb: {  	[tilespmem:s8], [sflag:$0x2] =	stream.indirect.gather [hbm4b:s3+s9], $0x80, s24, s9, $0xb8;
	[tilespmem:$0x8800] =	vst v63  }
0xec: {  	s0 =	rddreg [dreg:$0xa]  }
0xed: {  	[hbm4b:s0+s2] =	stream.linear.scatter [tilespmem:s10], [sflag:$0x3], $0x4000, $0x38;
	[tilespmem:$0x8800] =	vst v63  }
0xee: {  	_ =	swait.ge [sflag:s11], $0x4000  }
0xef: {  	[sflag:s11] =	ssyncset.done $0x0  }
0xf0: {  	[sflag:s11] =	ssyncadd.s32 $0xFFFFC000  }
0xf1: {  	_ =	swait.ge [sflag:s7], $0x4000  }
0xf2: {  	[sflag:s7] =	ssyncset.done $0x0  }
0xf3: {  	[sflag:s7] =	ssyncadd.s32 $0xFFFFC000  }
0xf4: {  	[tilespmem:s10], [sflag:$0x1] =	stream.indirect.gather [hbm4b:s3+s9], $0x80, s23, s9, $0xb8;
	[tilespmem:$0x8800] =	vst v63  }
0xf5: {  	s0 =	rddreg [dreg:$0xb]  }
0xf6: {  	[hbm4b:s0+s2] =	stream.linear.scatter [tilespmem:s8], [sflag:$0x4], $0x4000, $0x38;
	[tilespmem:$0x8800] =	vst v63  }
0xf7: {  	_ =	swait.ge [sflag:s13], $0x4000  }
0xf8: {  	[sflag:s13] =	ssyncset.done $0x0  }
0xf9: {  	[sflag:s13] =	ssyncadd.s32 $0xFFFFC000  }
0xfa: {  	_ =	swait.ge [sflag:s6], $0x4000  }
0xfb: {  	[sflag:s6] =	ssyncset.done $0x0  }
0xfc: {  	[sflag:s6] =	ssyncadd.s32 $0xFFFFC000  }
0xfd: {  	[tilespmem:s8], [sflag:$0x2] =	stream.indirect.gather [hbm4b:s3+s9], $0x80, s22, s9, $0xb8;
	[tilespmem:$0x8800] =	vst v63  }
0xfe: {  	s0 =	rddreg [dreg:$0xc]  }
0xff: {  	[hbm4b:s0+s2] =	stream.linear.scatter [tilespmem:s10], [sflag:$0x3], $0x4000, $0x38;
	[tilespmem:$0x8800] =	vst v63  }
0x100: {  	_ =	swait.ge [sflag:s11], $0x4000  }
0x101: {  	[sflag:s11] =	ssyncset.done $0x0  }
0x102: {  	[sflag:s11] =	ssyncadd.s32 $0xFFFFC000  }
0x103: {  	_ =	swait.ge [sflag:s7], $0x4000  }
0x104: {  	[sflag:s7] =	ssyncset.done $0x0  }
0x105: {  	[sflag:s7] =	ssyncadd.s32 $0xFFFFC000  }
0x106: {  	[tilespmem:s10], [sflag:$0x1] =	stream.indirect.gather [hbm4b:s3+s9], $0x80, s21, s9, $0xb8;
	[tilespmem:$0x8800] =	vst v63  }
0x107: {  	s0 =	rddreg [dreg:$0xd]  }
0x108: {  	[hbm4b:s0+s2] =	stream.linear.scatter [tilespmem:s8], [sflag:$0x4], $0x4000, $0x38;
	[tilespmem:$0x8800] =	vst v63  }
0x109: {  	_ =	swait.ge [sflag:s13], $0x4000  }
0x10a: {  	[sflag:s13] =	ssyncset.done $0x0  }
0x10b: {  	[sflag:s13] =	ssyncadd.s32 $0xFFFFC000  }
0x10c: {  	_ =	swait.ge [sflag:s6], $0x4000  }
0x10d: {  	[sflag:s6] =	ssyncset.done $0x0  }
0x10e: {  	[sflag:s6] =	ssyncadd.s32 $0xFFFFC000  }
0x10f: {  	[tilespmem:s8], [sflag:$0x2] =	stream.indirect.gather [hbm4b:s3+s9], $0x80, s20, s9, $0xb8;
	[tilespmem:$0x8800] =	vst v63  }
0x110: {  	s0 =	rddreg [dreg:$0xe]  }
0x111: {  	[hbm4b:s0+s2] =	stream.linear.scatter [tilespmem:s10], [sflag:$0x3], $0x4000, $0x38;
	[tilespmem:$0x8800] =	vst v63  }
0x112: {  	_ =	swait.ge [sflag:s11], $0x4000  }
0x113: {  	[sflag:s11] =	ssyncset.done $0x0  }
0x114: {  	[sflag:s11] =	ssyncadd.s32 $0xFFFFC000  }
0x115: {  	_ =	swait.ge [sflag:s7], $0x4000  }
0x116: {  	[sflag:s7] =	ssyncset.done $0x0  }
0x117: {  	[sflag:s7] =	ssyncadd.s32 $0xFFFFC000  }
0x118: {  	[tilespmem:s10], [sflag:$0x1] =	stream.indirect.gather [hbm4b:s3+s9], $0x80, s19, s9, $0xb8;
	[tilespmem:$0x8800] =	vst v63  }
0x119: {  	_ = 	snop  }
0x11a: {  	[hbm4b:s15+s2] =	stream.linear.scatter [tilespmem:s8], [sflag:$0x4], $0x4000, $0x38;
	[tilespmem:$0x8800] =	vst v63  }
0x11b: {  	_ =	swait.ge [sflag:s13], $0x4000  }
0x11c: {  	[sflag:s13] =	ssyncset.done $0x0  }
0x11d: {  	[sflag:s13] =	ssyncadd.s32 $0xFFFFC000  }
0x11e: {  	_ =	swait.ge [sflag:s6], $0x4000  }
0x11f: {  	[sflag:s6] =	ssyncset.done $0x0  }
0x120: {  	[sflag:s6] =	ssyncadd.s32 $0xFFFFC000  }
0x121: {  	[tilespmem:s8], [sflag:$0x2] =	stream.indirect.gather [hbm4b:s3+s9], $0x80, s18, s9, $0xb8;
	[tilespmem:$0x8800] =	vst v63  }
0x122: {  	_ = 	snop  }
0x123: {  	[hbm4b:s14+s2] =	stream.linear.scatter [tilespmem:s10], [sflag:$0x3], $0x4000, $0x38;
	[tilespmem:$0x8800] =	vst v63  }
0x124: {  	_ =	swait.ge [sflag:s11], $0x4000  }
0x125: {  	[sflag:s11] =	ssyncset.done $0x0  }
0x126: {  	[sflag:s11] =	ssyncadd.s32 $0xFFFFC000  }
0x127: {  	_ =	swait.ge [sflag:s7], $0x4000  }
0x128: {  	[sflag:s7] =	ssyncset.done $0x0  }
0x129: {  	[sflag:s7] =	ssyncadd.s32 $0xFFFFC000  }
0x12a: {  	[tilespmem:s10], [sflag:$0x1] =	stream.indirect.gather [hbm4b:s3+s9], $0x80, s17, s9, $0xb8;
	[tilespmem:$0x8800] =	vst v63  }
0x12b: {  	_ = 	snop  }
0x12c: {  	[hbm4b:s12+s2] =	stream.linear.scatter [tilespmem:s8], [sflag:$0x4], $0x4000, $0x38;
	[tilespmem:$0x8800] =	vst v63  }
0x12d: {  	_ =	swait.ge [sflag:s13], $0x4000  }
0x12e: {  	[sflag:s13] =	ssyncset.done $0x0  }
0x12f: {  	[sflag:s13] =	ssyncadd.s32 $0xFFFFC000  }
0x130: {  	_ =	swait.ge [sflag:s6], $0x4000  }
0x131: {  	[sflag:s6] =	ssyncset.done $0x0  }
0x132: {  	[sflag:s6] =	ssyncadd.s32 $0xFFFFC000  }
0x133: {  	[tilespmem:s8], [sflag:$0x2] =	stream.indirect.gather [hbm4b:s3+s9], $0x80, s16, s9, $0xb8;
	[tilespmem:$0x8800] =	vst v63  }
0x134: {  	_ = 	snop  }
0x135: {  	[hbm4b:s5+s2] =	stream.linear.scatter [tilespmem:s10], [sflag:$0x3], $0x4000, $0x38;
	[tilespmem:$0x8800] =	vst v63  }
0x136: {  	_ =	swait.ge [sflag:s11], $0x4000  }
0x137: {  	[sflag:s11] =	ssyncset.done $0x0  }
0x138: {  	p1 =	sne.s32 s1, $0x1;
	[sflag:s11] =	ssyncadd.s32 $0xFFFFC000  }
0x139: {  	[hbm4b:s4+s2] =	stream.linear.scatter [tilespmem:s8], [sflag:$0x4], $0x4000, $0x38;
	[tilespmem:$0x8800] =	vst v63  }
.Ltmp2:
0x13a: {  	_ =	swait.ge [sflag:s7], $0x4000;
	(pc) =	sbr.rel @p1 .LBB2_2-.Ltmp2, $4  }
0x13b: {  	[sflag:s7] =	ssyncset.done $0x0  }
0x13c: {  	[sflag:s7] =	ssyncadd.s32 $0xFFFFC000  }
0x13d: {  	_ =	swait.ge [sflag:s6], $0x4000  }
0x13e: {  	s1 =	sadd.s32 $0xFFFFFFFF, s1;
	s0 =	rddreg [dreg:$0x3];
	[sflag:s6] =	ssyncset.done $0x0  }
.LBB2_3:
0x13f: {  	[sflag:s6] =	ssyncadd.s32 @p0 $0xFFFFC000  }
0x140: {  	[tilespmem:s2], [sflag:$0x5] =	stream.linear.gather [hbm4b:s0+s2], $0x800, $0x38;
	[tilespmem:$0x8800] =	vst v63  }
0x141: {  	_ =	swait.ge [sflag:s31], $0x800  }
0x142: {  	[sflag:s31] =	ssyncset.done $0x0  }
0x143: {  	[sflag:s31] =	ssyncadd.s32 $0xFFFFF800  }
0x144: {  	[tilespmem:s10], [sflag:$0x1] =	stream.indirect.gather [hbm4b:s3+s9], $0x80, s2, s9, $0xb8;
	[tilespmem:$0x8800] =	vst v63  }
0x145: {  	_ =	swait.ge [sflag:s13], $0x4000  }
0x146: {  	[sflag:s13] =	ssyncset.done $0x0  }
0x147: {  	[sflag:s13] =	ssyncadd.s32 $0xFFFFC000  }
0x148: {  	[tilespmem:s8], [sflag:$0x2] =	stream.indirect.gather [hbm4b:s3+s9], $0x80, s9, s9, $0xb8;
	[tilespmem:$0x8800] =	vst v63  }
0x149: {  	s1 =	rddreg [dreg:$0x4]  }
0x14a: {  	[hbm4b:s1+s2] =	stream.linear.scatter [tilespmem:s10], [sflag:$0x3], $0x4000, $0x38;
	[tilespmem:$0x8800] =	vst v63  }
0x14b: {  	_ =	swait.ge [sflag:s11], $0x4000  }
0x14c: {  	[sflag:s11] =	ssyncset.done $0x0  }
0x14d: {  	[sflag:s11] =	ssyncadd.s32 $0xFFFFC000  }
0x14e: {  	_ =	swait.ge [sflag:s7], $0x4000  }
0x14f: {  	[sflag:s7] =	ssyncset.done $0x0  }
0x150: {  	[sflag:s7] =	ssyncadd.s32 $0xFFFFC000  }
0x151: {  	[tilespmem:s10], [sflag:$0x1] =	stream.indirect.gather [hbm4b:s3+s9], $0x80, s30, s9, $0xb8;
	[tilespmem:$0x8800] =	vst v63  }
0x152: {  	s31 =	rddreg [dreg:$0x5]  }
0x153: {  	[hbm4b:s31+s2] =	stream.linear.scatter [tilespmem:s8], [sflag:$0x4], $0x4000, $0x38;
	[tilespmem:$0x8800] =	vst v63  }
0x154: {  	_ =	swait.ge [sflag:s13], $0x4000  }
0x155: {  	[sflag:s13] =	ssyncset.done $0x0  }
0x156: {  	[sflag:s13] =	ssyncadd.s32 $0xFFFFC000  }
0x157: {  	_ =	swait.ge [sflag:s6], $0x4000  }
0x158: {  	[sflag:s6] =	ssyncset.done $0x0  }
0x159: {  	[sflag:s6] =	ssyncadd.s32 $0xFFFFC000  }
0x15a: {  	[tilespmem:s8], [sflag:$0x2] =	stream.indirect.gather [hbm4b:s3+s9], $0x80, s29, s9, $0xb8;
	[tilespmem:$0x8800] =	vst v63  }
0x15b: {  	s1 =	rddreg [dreg:$0x6]  }
0x15c: {  	[hbm4b:s1+s2] =	stream.linear.scatter [tilespmem:s10], [sflag:$0x3], $0x4000, $0x38;
	[tilespmem:$0x8800] =	vst v63  }
0x15d: {  	_ =	swait.ge [sflag:s11], $0x4000  }
0x15e: {  	[sflag:s11] =	ssyncset.done $0x0  }
0x15f: {  	[sflag:s11] =	ssyncadd.s32 $0xFFFFC000  }
0x160: {  	_ =	swait.ge [sflag:s7], $0x4000  }
0x161: {  	[sflag:s7] =	ssyncset.done $0x0  }
0x162: {  	[sflag:s7] =	ssyncadd.s32 $0xFFFFC000  }
0x163: {  	[tilespmem:s10], [sflag:$0x1] =	stream.indirect.gather [hbm4b:s3+s9], $0x80, s28, s9, $0xb8;
	[tilespmem:$0x8800] =	vst v63  }
0x164: {  	s30 =	rddreg [dreg:$0x7]  }
0x165: {  	[hbm4b:s30+s2] =	stream.linear.scatter [tilespmem:s8], [sflag:$0x4], $0x4000, $0x38;
	[tilespmem:$0x8800] =	vst v63  }
0x166: {  	_ =	swait.ge [sflag:s13], $0x4000  }
0x167: {  	[sflag:s13] =	ssyncset.done $0x0  }
0x168: {  	[sflag:s13] =	ssyncadd.s32 $0xFFFFC000  }
0x169: {  	_ =	swait.ge [sflag:s6], $0x4000  }
0x16a: {  	[sflag:s6] =	ssyncset.done $0x0  }
0x16b: {  	[sflag:s6] =	ssyncadd.s32 $0xFFFFC000  }
0x16c: {  	[tilespmem:s8], [sflag:$0x2] =	stream.indirect.gather [hbm4b:s3+s9], $0x80, s26, s9, $0xb8;
	[tilespmem:$0x8800] =	vst v63  }
0x16d: {  	s31 =	rddreg [dreg:$0x8]  }
0x16e: {  	[hbm4b:s31+s2] =	stream.linear.scatter [tilespmem:s10], [sflag:$0x3], $0x4000, $0x38;
	[tilespmem:$0x8800] =	vst v63  }
0x16f: {  	_ =	swait.ge [sflag:s11], $0x4000  }
0x170: {  	[sflag:s11] =	ssyncset.done $0x0  }
0x171: {  	[sflag:s11] =	ssyncadd.s32 $0xFFFFC000  }
0x172: {  	_ =	swait.ge [sflag:s7], $0x4000  }
0x173: {  	[sflag:s7] =	ssyncset.done $0x0  }
0x174: {  	[sflag:s7] =	ssyncadd.s32 $0xFFFFC000  }
0x175: {  	[tilespmem:s10], [sflag:$0x1] =	stream.indirect.gather [hbm4b:s3+s9], $0x80, s25, s9, $0xb8;
	[tilespmem:$0x8800] =	vst v63  }
0x176: {  	s1 =	rddreg [dreg:$0x9]  }
0x177: {  	[hbm4b:s1+s2] =	stream.linear.scatter [tilespmem:s8], [sflag:$0x4], $0x4000, $0x38;
	[tilespmem:$0x8800] =	vst v63  }
0x178: {  	_ =	swait.ge [sflag:s13], $0x4000  }
0x179: {  	[sflag:s13] =	ssyncset.done $0x0  }
0x17a: {  	[sflag:s13] =	ssyncadd.s32 $0xFFFFC000  }
0x17b: {  	_ =	swait.ge [sflag:s6], $0x4000  }
0x17c: {  	[sflag:s6] =	ssyncset.done $0x0  }
0x17d: {  	[sflag:s6] =	ssyncadd.s32 $0xFFFFC000  }
0x17e: {  	[tilespmem:s8], [sflag:$0x2] =	stream.indirect.gather [hbm4b:s3+s9], $0x80, s24, s9, $0xb8;
	[tilespmem:$0x8800] =	vst v63  }
0x17f: {  	s25 =	rddreg [dreg:$0xa]  }
0x180: {  	[hbm4b:s25+s2] =	stream.linear.scatter [tilespmem:s10], [sflag:$0x3], $0x4000, $0x38;
	[tilespmem:$0x8800] =	vst v63  }
0x181: {  	_ =	swait.ge [sflag:s11], $0x4000  }
0x182: {  	[sflag:s11] =	ssyncset.done $0x0  }
0x183: {  	[sflag:s11] =	ssyncadd.s32 $0xFFFFC000  }
0x184: {  	_ =	swait.ge [sflag:s7], $0x4000  }
0x185: {  	[sflag:s7] =	ssyncset.done $0x0  }
0x186: {  	[sflag:s7] =	ssyncadd.s32 $0xFFFFC000  }
0x187: {  	[tilespmem:s10], [sflag:$0x1] =	stream.indirect.gather [hbm4b:s3+s9], $0x80, s23, s9, $0xb8;
	[tilespmem:$0x8800] =	vst v63  }
0x188: {  	s26 =	rddreg [dreg:$0xb]  }
0x189: {  	[hbm4b:s26+s2] =	stream.linear.scatter [tilespmem:s8], [sflag:$0x4], $0x4000, $0x38;
	[tilespmem:$0x8800] =	vst v63  }
0x18a: {  	_ =	swait.ge [sflag:s13], $0x4000  }
0x18b: {  	[sflag:s13] =	ssyncset.done $0x0  }
0x18c: {  	[sflag:s13] =	ssyncadd.s32 $0xFFFFC000  }
0x18d: {  	_ =	swait.ge [sflag:s6], $0x4000  }
0x18e: {  	[sflag:s6] =	ssyncset.done $0x0  }
0x18f: {  	[sflag:s6] =	ssyncadd.s32 $0xFFFFC000  }
0x190: {  	[tilespmem:s8], [sflag:$0x2] =	stream.indirect.gather [hbm4b:s3+s9], $0x80, s22, s9, $0xb8;
	[tilespmem:$0x8800] =	vst v63  }
0x191: {  	s28 =	rddreg [dreg:$0xc]  }
0x192: {  	[hbm4b:s28+s2] =	stream.linear.scatter [tilespmem:s10], [sflag:$0x3], $0x4000, $0x38;
	[tilespmem:$0x8800] =	vst v63  }
0x193: {  	_ =	swait.ge [sflag:s11], $0x4000  }
0x194: {  	[sflag:s11] =	ssyncset.done $0x0  }
0x195: {  	[sflag:s11] =	ssyncadd.s32 $0xFFFFC000  }
0x196: {  	_ =	swait.ge [sflag:s7], $0x4000  }
0x197: {  	[sflag:s7] =	ssyncset.done $0x0  }
0x198: {  	[sflag:s7] =	ssyncadd.s32 $0xFFFFC000  }
0x199: {  	[tilespmem:s10], [sflag:$0x1] =	stream.indirect.gather [hbm4b:s3+s9], $0x80, s21, s9, $0xb8;
	[tilespmem:$0x8800] =	vst v63  }
0x19a: {  	s29 =	rddreg [dreg:$0xd]  }
0x19b: {  	[hbm4b:s29+s2] =	stream.linear.scatter [tilespmem:s8], [sflag:$0x4], $0x4000, $0x38;
	[tilespmem:$0x8800] =	vst v63  }
0x19c: {  	_ =	swait.ge [sflag:s13], $0x4000  }
0x19d: {  	[sflag:s13] =	ssyncset.done $0x0  }
0x19e: {  	[sflag:s13] =	ssyncadd.s32 $0xFFFFC000  }
0x19f: {  	_ =	swait.ge [sflag:s6], $0x4000  }
0x1a0: {  	[sflag:s6] =	ssyncset.done $0x0  }
0x1a1: {  	[sflag:s6] =	ssyncadd.s32 $0xFFFFC000  }
0x1a2: {  	[tilespmem:s8], [sflag:$0x2] =	stream.indirect.gather [hbm4b:s3+s9], $0x80, s20, s9, $0xb8;
	[tilespmem:$0x8800] =	vst v63  }
0x1a3: {  	s30 =	rddreg [dreg:$0xe]  }
0x1a4: {  	[hbm4b:s30+s2] =	stream.linear.scatter [tilespmem:s10], [sflag:$0x3], $0x4000, $0x38;
	[tilespmem:$0x8800] =	vst v63  }
0x1a5: {  	_ =	swait.ge [sflag:s11], $0x4000  }
0x1a6: {  	[sflag:s11] =	ssyncset.done $0x0  }
0x1a7: {  	[sflag:s11] =	ssyncadd.s32 $0xFFFFC000  }
0x1a8: {  	_ =	swait.ge [sflag:s7], $0x4000  }
0x1a9: {  	[sflag:s7] =	ssyncset.done $0x0  }
0x1aa: {  	[sflag:s7] =	ssyncadd.s32 $0xFFFFC000  }
0x1ab: {  	[tilespmem:s10], [sflag:$0x1] =	stream.indirect.gather [hbm4b:s3+s9], $0x80, s19, s9, $0xb8;
	[tilespmem:$0x8800] =	vst v63  }
0x1ac: {  	_ = 	snop  }
0x1ad: {  	[hbm4b:s15+s2] =	stream.linear.scatter [tilespmem:s8], [sflag:$0x4], $0x4000, $0x38;
	[tilespmem:$0x8800] =	vst v63  }
0x1ae: {  	_ =	swait.ge [sflag:s13], $0x4000  }
0x1af: {  	[sflag:s13] =	ssyncset.done $0x0  }
0x1b0: {  	[sflag:s13] =	ssyncadd.s32 $0xFFFFC000  }
0x1b1: {  	_ =	swait.ge [sflag:s6], $0x4000  }
0x1b2: {  	[sflag:s6] =	ssyncset.done $0x0  }
0x1b3: {  	[sflag:s6] =	ssyncadd.s32 $0xFFFFC000  }
0x1b4: {  	[tilespmem:s8], [sflag:$0x2] =	stream.indirect.gather [hbm4b:s3+s9], $0x80, s18, s9, $0xb8;
	[tilespmem:$0x8800] =	vst v63  }
0x1b5: {  	_ = 	snop  }
0x1b6: {  	[hbm4b:s14+s2] =	stream.linear.scatter [tilespmem:s10], [sflag:$0x3], $0x4000, $0x38;
	[tilespmem:$0x8800] =	vst v63  }
0x1b7: {  	_ =	swait.ge [sflag:s11], $0x4000  }
0x1b8: {  	[sflag:s11] =	ssyncset.done $0x0  }
0x1b9: {  	[sflag:s11] =	ssyncadd.s32 $0xFFFFC000  }
0x1ba: {  	_ =	swait.ge [sflag:s7], $0x4000  }
0x1bb: {  	[sflag:s7] =	ssyncset.done $0x0  }
0x1bc: {  	[sflag:s7] =	ssyncadd.s32 $0xFFFFC000  }
0x1bd: {  	[tilespmem:s10], [sflag:$0x1] =	stream.indirect.gather [hbm4b:s3+s9], $0x80, s17, s9, $0xb8;
	[tilespmem:$0x8800] =	vst v63  }
0x1be: {  	_ = 	snop  }
0x1bf: {  	[hbm4b:s12+s2] =	stream.linear.scatter [tilespmem:s8], [sflag:$0x4], $0x4000, $0x38;
	[tilespmem:$0x8800] =	vst v63  }
0x1c0: {  	_ =	swait.ge [sflag:s13], $0x4000  }
0x1c1: {  	[sflag:s13] =	ssyncset.done $0x0  }
0x1c2: {  	[sflag:s13] =	ssyncadd.s32 $0xFFFFC000  }
0x1c3: {  	_ =	swait.ge [sflag:s6], $0x4000  }
0x1c4: {  	[sflag:s6] =	ssyncset.done $0x0  }
0x1c5: {  	[sflag:s6] =	ssyncadd.s32 $0xFFFFC000  }
0x1c6: {  	[tilespmem:s8], [sflag:$0x2] =	stream.indirect.gather [hbm4b:s3+s9], $0x80, s16, s9, $0xb8;
	[tilespmem:$0x8800] =	vst v63  }
0x1c7: {  	_ = 	snop  }
0x1c8: {  	[hbm4b:s5+s2] =	stream.linear.scatter [tilespmem:s10], [sflag:$0x3], $0x4000, $0x38;
	[tilespmem:$0x8800] =	vst v63  }
0x1c9: {  	_ =	swait.ge [sflag:s11], $0x4000  }
0x1ca: {  	[sflag:s11] =	ssyncset.done $0x0  }
0x1cb: {  	[sflag:s11] =	ssyncadd.s32 $0xFFFFC000  }
0x1cc: {  	[hbm4b:s4+s2] =	stream.linear.scatter [tilespmem:s8], [sflag:$0x4], $0x4000, $0x38;
	[tilespmem:$0x8800] =	vst v63  }
0x1cd: {  	_ =	swait.ge [sflag:s7], $0x4000  }
0x1ce: {  	[sflag:s7] =	ssyncset.done $0x0  }
0x1cf: {  	[sflag:s7] =	ssyncadd.s32 $0xFFFFC000  }
0x1d0: {  	_ =	swait.ge [sflag:s6], $0x4000  }
0x1d1: {  	[sflag:s6] =	ssyncset.done $0x0  }
0x1d2: {  	[sflag:s6] =	ssyncadd.s32 $0xFFFFC000  }
0x1d3: {  	_ =	sfence.sel $0x180000  }
0x1d4: {  	[bflag:$0x0] =	sbarrier.arrive $0xFFFF  }
0x1d5: {  	_ =	strace $0x90000047  }
0x1d6: {  	s31 =	stileid.u32;
	[bflag:$0x2] =	sbarrier.arrive $0xFFFF  }
0x1d7: {  	p0 =	sne.s32 s31, $0x0;
	s0 =	rddreg [dreg:$0x2]  }
0x1d8: {  	s0 =	sadd.s32 @!p0 $0x100000, s0  }
0x1d9: {  	[sflag:s0] =	ssyncadd.tile.s32 @!p0 $0x1;
	_ =	shalt  }
.Lfunc_end2:
_tile_overlayer_lowered:
.L_overlay_start_2:
0x1da: {  	(tag) =	ssettag $0x2  }
0x1db: {  	s0 =	rddreg [dreg:$0x0];
	s2 =	stileid.u32  }
0x1dc: {  	s1 =	rddreg [dreg:$0x1];
	p0 =	sne.s32 s2, $0x0  }
0x1dd: {  	s3 =	rddreg [dreg:$0x2];
	[bflag:$0x3] =	sbarrier.arrive $0xFFFF;
	s2 =	simm.s32 @!p0 $0x1C05  }
0x1de: {  	[timem:s3], [sflag:s2] =	dma.local @!p0 [hbm:s0], s1  }
0x1df: {  	s0 =	simm.s32 @!p0 $0x5  }
0x1e0: {  	_ =	swait.ge @!p0 [sflag:s0], s1  }
0x1e1: {  	s1 =	ssub.s32 @!p0 $0x0, s1;
	[sflag:s0] =	ssyncset.done @!p0 $0x0  }
0x1e2: {  	[sflag:s0] =	ssyncadd.s32 @!p0 s1  }
0x1e3: {  	[bflag:$0x3] =	sbarrier.arrive $0xFFFF  }
0x1e4: {  	_ =	shalt  }

</sc_bundles>
